<compile_context>
chip_gen: v7x
topology: tpu7x:2x2x1
jax: 0.10.2.dev20260603
libtpu: 0.0.44.dev20260713+nightly
codegen_flags: <defaults>
</compile_context>

<pallas_src>
import functools

import jax
import jax.numpy as jnp
from jax import lax
from jax.experimental import pallas as pl
from jax.experimental.pallas import tpu as pltpu
from jax.experimental.pallas import tpu_sc as plsc

N_NODES = 10000
D = 128
NC, NS = 2, 16
NW = NC * NS
NPAD = 10240
RPT = NPAD // NS
CHUNK = 128
EPW = 10240
NCHUNK = EPW // CHUNK
NE_PAD = NW * EPW


def _sc_aggregate_body(y_hbm, src_hbm, dst_hbm, psum_hbm, pdeg_hbm,
                       sidx_v, didx_v, rows_v, zdeg_v, ones_v,
                       acc_sh, deg_sh, sem):
    c = lax.axis_index("c")
    s = lax.axis_index("s")
    wid = c * NS + s

    zero16 = jnp.zeros((16,), jnp.float32)
    one16 = jnp.ones((16,), jnp.float32)

    def fill_zrow(i, carry):
        for k in range(D // 16):
            rows_v[i, pl.ds(k * 16, 16)] = zero16
        return carry
    lax.fori_loop(0, CHUNK, fill_zrow, 0)

    def fill_zdeg(i, carry):
        zdeg_v[pl.ds(i * 16, 16)] = zero16
        return carry
    lax.fori_loop(0, RPT // 16, fill_zdeg, 0)

    for k in range(CHUNK // 16):
        ones_v[pl.ds(k * 16, 16)] = one16

    base_r = s * RPT
    for j in range(RPT // CHUNK):
        pltpu.sync_copy(rows_v, acc_sh.at[pl.ds(base_r + j * CHUNK, CHUNK)])
    pltpu.sync_copy(zdeg_v, deg_sh.at[pl.ds(base_r, RPT)])
    plsc.subcore_barrier()

    pltpu.sync_copy(src_hbm.at[wid], sidx_v)
    pltpu.sync_copy(dst_hbm.at[wid], didx_v)

    def chunk_body(ci, carry):
        pltpu.async_copy(y_hbm.at[sidx_v.at[ci]], rows_v, sem).wait()
        pltpu.sync_copy(rows_v, acc_sh.at[didx_v.at[ci]], add=True)
        pltpu.sync_copy(ones_v, deg_sh.at[didx_v.at[ci]], add=True)
        return carry
    lax.fori_loop(0, NCHUNK, chunk_body, 0)

    plsc.subcore_barrier()
    pltpu.sync_copy(acc_sh.at[pl.ds(base_r, RPT)],
                    psum_hbm.at[c, pl.ds(base_r, RPT)])
    pltpu.sync_copy(deg_sh.at[pl.ds(base_r, RPT)],
                    pdeg_hbm.at[c, pl.ds(base_r, RPT)])


_sc_aggregate = functools.partial(
    pl.kernel,
    out_type=(jax.ShapeDtypeStruct((NC, NPAD, D), jnp.float32),
              jax.ShapeDtypeStruct((NC, NPAD), jnp.float32)),
    mesh=plsc.VectorSubcoreMesh(core_axis_name="c", subcore_axis_name="s"),
    scratch_types=[
        pltpu.VMEM((NCHUNK, CHUNK), jnp.int32),
        pltpu.VMEM((NCHUNK, CHUNK), jnp.int32),
        pltpu.VMEM((CHUNK, D), jnp.float32),
        pltpu.VMEM((RPT,), jnp.float32),
        pltpu.VMEM((CHUNK,), jnp.float32),
        pltpu.VMEM_SHARED((NPAD, D), jnp.float32),
        pltpu.VMEM_SHARED((NPAD,), jnp.float32),
        pltpu.SemaphoreType.DMA,
    ],
)(_sc_aggregate_body)


BR = 400
_DN = (((1,), (1,)), ((), ()))


def _tc_pre_body(x_ref, wl_ref, wr_ref, b_ref, y_ref, r_ref):
    xb = x_ref[...]
    y_ref[...] = lax.dot_general(xb, wl_ref[...], _DN,
                                 preferred_element_type=jnp.float32)
    r_ref[...] = lax.dot_general(xb, wr_ref[...], _DN,
                                 preferred_element_type=jnp.float32) + b_ref[...]


_tc_pre = pl.pallas_call(
    _tc_pre_body,
    grid=(N_NODES // BR,),
    in_specs=[
        pl.BlockSpec((BR, D), lambda i: (i, 0)),
        pl.BlockSpec((D, D), lambda i: (0, 0)),
        pl.BlockSpec((D, D), lambda i: (0, 0)),
        pl.BlockSpec((1, D), lambda i: (0, 0)),
    ],
    out_specs=[
        pl.BlockSpec((BR, D), lambda i: (i, 0)),
        pl.BlockSpec((BR, D), lambda i: (i, 0)),
    ],
    out_shape=[
        jax.ShapeDtypeStruct((N_NODES, D), jnp.float32),
        jax.ShapeDtypeStruct((N_NODES, D), jnp.float32),
    ],
)


def _tc_mid_body(p0_ref, p1_ref, d0_ref, d1_ref, r1_ref, wl_ref, wr_ref,
                 b_ref, y_ref, r_ref):
    deg = jnp.maximum(d0_ref[...] + d1_ref[...], 1.0)
    h = jnp.maximum((p0_ref[...] + p1_ref[...]) / deg + r1_ref[...], 0.0)
    y_ref[...] = lax.dot_general(h, wl_ref[...], _DN,
                                 preferred_element_type=jnp.float32)
    r_ref[...] = lax.dot_general(h, wr_ref[...], _DN,
                                 preferred_element_type=jnp.float32) + b_ref[...]


_tc_mid = pl.pallas_call(
    _tc_mid_body,
    grid=(N_NODES // BR,),
    in_specs=[
        pl.BlockSpec((BR, D), lambda i: (i, 0)),
        pl.BlockSpec((BR, D), lambda i: (i, 0)),
        pl.BlockSpec((BR, 1), lambda i: (i, 0)),
        pl.BlockSpec((BR, 1), lambda i: (i, 0)),
        pl.BlockSpec((BR, D), lambda i: (i, 0)),
        pl.BlockSpec((D, D), lambda i: (0, 0)),
        pl.BlockSpec((D, D), lambda i: (0, 0)),
        pl.BlockSpec((1, D), lambda i: (0, 0)),
    ],
    out_specs=[
        pl.BlockSpec((BR, D), lambda i: (i, 0)),
        pl.BlockSpec((BR, D), lambda i: (i, 0)),
    ],
    out_shape=[
        jax.ShapeDtypeStruct((N_NODES, D), jnp.float32),
        jax.ShapeDtypeStruct((N_NODES, D), jnp.float32),
    ],
)


def _tc_fin_body(p0_ref, p1_ref, d0_ref, d1_ref, r2_ref, o_ref):
    deg = jnp.maximum(d0_ref[...] + d1_ref[...], 1.0)
    o_ref[...] = (p0_ref[...] + p1_ref[...]) / deg + r2_ref[...]


_tc_fin = pl.pallas_call(
    _tc_fin_body,
    grid=(N_NODES // BR,),
    in_specs=[
        pl.BlockSpec((BR, D), lambda i: (i, 0)),
        pl.BlockSpec((BR, D), lambda i: (i, 0)),
        pl.BlockSpec((BR, 1), lambda i: (i, 0)),
        pl.BlockSpec((BR, 1), lambda i: (i, 0)),
        pl.BlockSpec((BR, D), lambda i: (i, 0)),
    ],
    out_specs=pl.BlockSpec((BR, D), lambda i: (i, 0)),
    out_shape=jax.ShapeDtypeStruct((N_NODES, D), jnp.float32),
)


def kernel(x, edge_index, Wl1, Wr1, b1, Wl2, Wr2, b2):
    src = edge_index[0].astype(jnp.int32)
    dst = edge_index[1].astype(jnp.int32)
    n_extra = NE_PAD - src.shape[0]
    pad_src = jnp.zeros((n_extra,), jnp.int32)
    pad_dst = N_NODES + (jnp.arange(n_extra, dtype=jnp.int32)
                         % (NPAD - N_NODES))
    src3 = jnp.concatenate([src, pad_src]).reshape(NW, NCHUNK, CHUNK)
    dst3 = jnp.concatenate([dst, pad_dst]).reshape(NW, NCHUNK, CHUNK)

    b1r = b1.reshape(1, D)
    b2r = b2.reshape(1, D)

    y1, r1 = _tc_pre(x, Wl1, Wr1, b1r)
    p1s, p1d = _sc_aggregate(y1, src3, dst3)
    y2, r2 = _tc_mid(p1s[0, :N_NODES], p1s[1, :N_NODES],
                     p1d[0, :N_NODES, None], p1d[1, :N_NODES, None],
                     r1, Wl2, Wr2, b2r)
    p2s, p2d = _sc_aggregate(y2, src3, dst3)
    out = _tc_fin(p2s[0, :N_NODES], p2s[1, :N_NODES],
                  p2d[0, :N_NODES, None], p2d[1, :N_NODES, None], r2)
    return out

# --- scband reference (transcript-rebuilt; emitter-appended) ---
"""Pipeline reference for scband-graph-sageencoder-6674379178176 (READ-ONLY COPY).

The authoritative reference and input builder live on the scoring server;
editing this copy changes nothing except your own understanding.
"""

import jax, jax.numpy as jnp
import numpy as np

N_NODES = 10000
N_EDGES = 320000
D_FEAT = 128
HIDDEN = 128
OUT = 128


def setup_inputs(seed: int = 0) -> dict:
    key = jax.random.key(seed)
    k_x, k_e, k1, k2, k3, k4 = jax.random.split(key, 6)
    x = jax.random.normal(k_x, (N_NODES, D_FEAT), dtype=jnp.float32)
    edge_index = jax.random.randint(k_e, (2, N_EDGES), 0, N_NODES, dtype=jnp.int64)
    # SAGEConv layer 1: lin_l (neighbor aggr, with bias), lin_r (root)
    s1 = 1.0 / np.sqrt(D_FEAT)
    Wl1 = jax.random.normal(k1, (HIDDEN, D_FEAT), dtype=jnp.float32) * s1
    Wr1 = jax.random.normal(k2, (HIDDEN, D_FEAT), dtype=jnp.float32) * s1
    b1 = jnp.zeros((HIDDEN,), dtype=jnp.float32)
    # SAGEConv layer 2
    s2 = 1.0 / np.sqrt(HIDDEN)
    Wl2 = jax.random.normal(k3, (OUT, HIDDEN), dtype=jnp.float32) * s2
    Wr2 = jax.random.normal(k4, (OUT, HIDDEN), dtype=jnp.float32) * s2
    b2 = jnp.zeros((OUT,), dtype=jnp.float32)
    return {"x": x, "edge_index": edge_index, "Wl1": Wl1, "Wr1": Wr1, "b1": b1,
            "Wl2": Wl2, "Wr2": Wr2, "b2": b2}


def _sage_conv(x, edge_index, Wl, Wr, b):
    src = edge_index[0]
    dst = edge_index[1]
    n = x.shape[0]
    msgs = jnp.take(x, src, axis=0)                      # gather (SparseCore)
    summed = jax.ops.segment_sum(msgs, dst, num_segments=n)  # scatter-add
    deg = jax.ops.segment_sum(jnp.ones((src.shape[0],), dtype=x.dtype), dst, num_segments=n)
    mean_aggr = summed / jnp.clip(deg, 1.0, None)[:, None]
    return mean_aggr @ Wl.T + x @ Wr.T + b


def reference(x, edge_index, Wl1, Wr1, b1, Wl2, Wr2, b2):
    # layer 1 + relu (dropout is identity in eval mode)
    h = _sage_conv(x, edge_index, Wl1, Wr1, b1)
    h = jax.nn.relu(h)
    # layer 2 (no activation on final layer)
    out = _sage_conv(h, edge_index, Wl2, Wr2, b2)
    return out

if __name__ == "__main__":
    import jax
    _d = setup_inputs()
    print(jax.jit(kernel)(*tuple(_d.values())))

</pallas_src>

<mosaic_0001>
#map = affine_map<(d0, d1) -> (0, 0)>
#map1 = affine_map<(d0, d1) -> (0, 0, 0)>
module attributes {stable_mosaic.version = 14 : i64} {
  func.func @_sc_aggregate_body(%arg0: i32, %arg1: i32, %arg2: memref<10000x128xf32, #tpu.memory_space<hbm>>, %arg3: memref<32x80x128xi32, #tpu.memory_space<hbm>>, %arg4: memref<32x80x128xi32, #tpu.memory_space<hbm>>, %arg5: memref<2x10240x128xf32, #tpu.memory_space<hbm>>, %arg6: memref<2x10240xf32, #tpu.memory_space<hbm>>, %arg7: memref<80x128xi32, #tpu.memory_space<vmem>>, %arg8: memref<80x128xi32, #tpu.memory_space<vmem>>, %arg9: memref<128x128xf32, #tpu.memory_space<vmem>>, %arg10: memref<640xf32, #tpu.memory_space<vmem>>, %arg11: memref<128xf32, #tpu.memory_space<vmem>>, %arg12: memref<10240x128xf32, #tpu.memory_space<vmem_shared>>, %arg13: memref<10240xf32, #tpu.memory_space<vmem_shared>>, %arg14: memref<!tpu.dma_semaphore, #tpu.memory_space<semaphore_mem>>) attributes {dimension_semantics = [#tpu.dimension_semantics<core_parallel>, #tpu.dimension_semantics<subcore_parallel>], iteration_bounds = array<i64: 2, 16>, scalar_prefetch = 0 : i64, scratch_operands = 8 : i64, tpu.core_type = #tpu.core_type<sc_vector_subcore>, window_params = [{transform_indices = #map}, {transform_indices = #map1}, {transform_indices = #map1}, {transform_indices = #map1}, {transform_indices = #map}]} {
    %mul3A = arith.constant 16 : i32
    %mul3A_0 = arith.muli %arg0, %mul3A : i32
    %add3A = arith.addi %mul3A_0, %arg1 : i32
    %broadcast_in_dim3A = arith.constant 0.000000e+00 : f32
    %broadcast_in_dim3A_1 = vector.broadcast %broadcast_in_dim3A : f32 to vector<16xf32>
    %broadcast_in_dim3A_2 = arith.constant 1.000000e+00 : f32
    %broadcast_in_dim3A_3 = vector.broadcast %broadcast_in_dim3A_2 : f32 to vector<16xf32>
    %scan3A = arith.constant 0 : i32
    %scan3A_4 = arith.constant 0 : i32
    %scan3A_5 = arith.constant 128 : i32
    %scan3A_6 = arith.addi %scan3A_4, %scan3A_5 : i32
    %scan3A_7 = arith.constant 1 : i32
    scf.for %scan3A_65 = %scan3A_4 to %scan3A_6 step %scan3A_7  : i32 {
      %swap3A_66 = arith.index_cast %scan3A_65 : i32 to index
      %swap3A_67 = arith.constant 0 : index
      %swap3A_68 = tpu.vector_load %arg9[%swap3A_66, %swap3A_67] {strides = array<i32>} : memref<128x128xf32, #tpu.memory_space<vmem>>, vector<1x16xf32>,
      %swap3A_69 = vector.shape_cast %swap3A_68 : vector<1x16xf32> to vector<16xf32>
      %swap3A_70 = vector.shape_cast %broadcast_in_dim3A_1 : vector<16xf32> to vector<1x16xf32>
      tpu.vector_store %arg9[%swap3A_66, %swap3A_67], %swap3A_70 {strides = array<i32>} : memref<128x128xf32, #tpu.memory_space<vmem>>, vector<1x16xf32>,
      %swap3A_71 = arith.index_cast %scan3A_65 : i32 to index
      %swap3A_72 = arith.constant 16 : index
      %swap3A_73 = tpu.vector_load %arg9[%swap3A_71, %swap3A_72] {strides = array<i32>} : memref<128x128xf32, #tpu.memory_space<vmem>>, vector<1x16xf32>,
      %swap3A_74 = vector.shape_cast %swap3A_73 : vector<1x16xf32> to vector<16xf32>
      %swap3A_75 = vector.shape_cast %broadcast_in_dim3A_1 : vector<16xf32> to vector<1x16xf32>
      tpu.vector_store %arg9[%swap3A_71, %swap3A_72], %swap3A_75 {strides = array<i32>} : memref<128x128xf32, #tpu.memory_space<vmem>>, vector<1x16xf32>,
      %swap3A_76 = arith.index_cast %scan3A_65 : i32 to index
      %swap3A_77 = arith.constant 32 : index
      %swap3A_78 = tpu.vector_load %arg9[%swap3A_76, %swap3A_77] {strides = array<i32>} : memref<128x128xf32, #tpu.memory_space<vmem>>, vector<1x16xf32>,
      %swap3A_79 = vector.shape_cast %swap3A_78 : vector<1x16xf32> to vector<16xf32>
      %swap3A_80 = vector.shape_cast %broadcast_in_dim3A_1 : vector<16xf32> to vector<1x16xf32>
      tpu.vector_store %arg9[%swap3A_76, %swap3A_77], %swap3A_80 {strides = array<i32>} : memref<128x128xf32, #tpu.memory_space<vmem>>, vector<1x16xf32>,
      %swap3A_81 = arith.index_cast %scan3A_65 : i32 to index
      %swap3A_82 = arith.constant 48 : index
      %swap3A_83 = tpu.vector_load %arg9[%swap3A_81, %swap3A_82] {strides = array<i32>} : memref<128x128xf32, #tpu.memory_space<vmem>>, vector<1x16xf32>,
      %swap3A_84 = vector.shape_cast %swap3A_83 : vector<1x16xf32> to vector<16xf32>
      %swap3A_85 = vector.shape_cast %broadcast_in_dim3A_1 : vector<16xf32> to vector<1x16xf32>
      tpu.vector_store %arg9[%swap3A_81, %swap3A_82], %swap3A_85 {strides = array<i32>} : memref<128x128xf32, #tpu.memory_space<vmem>>, vector<1x16xf32>,
      %swap3A_86 = arith.index_cast %scan3A_65 : i32 to index
      %swap3A_87 = arith.constant 64 : index
      %swap3A_88 = tpu.vector_load %arg9[%swap3A_86, %swap3A_87] {strides = array<i32>} : memref<128x128xf32, #tpu.memory_space<vmem>>, vector<1x16xf32>,
      %swap3A_89 = vector.shape_cast %swap3A_88 : vector<1x16xf32> to vector<16xf32>
      %swap3A_90 = vector.shape_cast %broadcast_in_dim3A_1 : vector<16xf32> to vector<1x16xf32>
      tpu.vector_store %arg9[%swap3A_86, %swap3A_87], %swap3A_90 {strides = array<i32>} : memref<128x128xf32, #tpu.memory_space<vmem>>, vector<1x16xf32>,
      %swap3A_91 = arith.index_cast %scan3A_65 : i32 to index
      %swap3A_92 = arith.constant 80 : index
      %swap3A_93 = tpu.vector_load %arg9[%swap3A_91, %swap3A_92] {strides = array<i32>} : memref<128x128xf32, #tpu.memory_space<vmem>>, vector<1x16xf32>,
      %swap3A_94 = vector.shape_cast %swap3A_93 : vector<1x16xf32> to vector<16xf32>
      %swap3A_95 = vector.shape_cast %broadcast_in_dim3A_1 : vector<16xf32> to vector<1x16xf32>
      tpu.vector_store %arg9[%swap3A_91, %swap3A_92], %swap3A_95 {strides = array<i32>} : memref<128x128xf32, #tpu.memory_space<vmem>>, vector<1x16xf32>,
      %swap3A_96 = arith.index_cast %scan3A_65 : i32 to index
      %swap3A_97 = arith.constant 96 : index
      %swap3A_98 = tpu.vector_load %arg9[%swap3A_96, %swap3A_97] {strides = array<i32>} : memref<128x128xf32, #tpu.memory_space<vmem>>, vector<1x16xf32>,
      %swap3A_99 = vector.shape_cast %swap3A_98 : vector<1x16xf32> to vector<16xf32>
      %swap3A_100 = vector.shape_cast %broadcast_in_dim3A_1 : vector<16xf32> to vector<1x16xf32>
      tpu.vector_store %arg9[%swap3A_96, %swap3A_97], %swap3A_100 {strides = array<i32>} : memref<128x128xf32, #tpu.memory_space<vmem>>, vector<1x16xf32>,
      %swap3A_101 = arith.index_cast %scan3A_65 : i32 to index
      %swap3A_102 = arith.constant 112 : index
      %swap3A_103 = tpu.vector_load %arg9[%swap3A_101, %swap3A_102] {strides = array<i32>} : memref<128x128xf32, #tpu.memory_space<vmem>>, vector<1x16xf32>,
      %swap3A_104 = vector.shape_cast %swap3A_103 : vector<1x16xf32> to vector<16xf32>
      %swap3A_105 = vector.shape_cast %broadcast_in_dim3A_1 : vector<16xf32> to vector<1x16xf32>
      tpu.vector_store %arg9[%swap3A_101, %swap3A_102], %swap3A_105 {strides = array<i32>} : memref<128x128xf32, #tpu.memory_space<vmem>>, vector<1x16xf32>,
    }
    %scan3A_8 = arith.constant 128 : i32
    %scan3A_9 = arith.constant 0 : i32
    %scan3A_10 = arith.constant 0 : i32
    %scan3A_11 = arith.constant 40 : i32
    %scan3A_12 = arith.addi %scan3A_10, %scan3A_11 : i32
    %scan3A_13 = arith.constant 1 : i32
    scf.for %scan3A_65 = %scan3A_10 to %scan3A_12 step %scan3A_13  : i32 {
      %mul3A_66 = arith.constant 16 : i32
      %mul3A_67 = arith.muli %scan3A_65, %mul3A_66 : i32
      %swap3A_68 = arith.index_cast %mul3A_67 : i32 to index
      %swap3A_69 = tpu.vector_load %arg10[%swap3A_68] {strides = array<i32>} : memref<640xf32, #tpu.memory_space<vmem>>, vector<16xf32>,
      %swap3A_70 = vector.shape_cast %swap3A_69 : vector<16xf32> to vector<16xf32>
      %swap3A_71 = vector.shape_cast %broadcast_in_dim3A_1 : vector<16xf32> to vector<16xf32>
      tpu.vector_store %arg10[%swap3A_68], %swap3A_71 {strides = array<i32>} : memref<640xf32, #tpu.memory_space<vmem>>, vector<16xf32>,
    }
    %scan3A_14 = arith.constant 40 : i32
    %swap3A = arith.constant 0 : index
    %swap3A_15 = tpu.vector_load %arg11[%swap3A] {strides = array<i32>} : memref<128xf32, #tpu.memory_space<vmem>>, vector<16xf32>,
    %swap3A_16 = vector.shape_cast %swap3A_15 : vector<16xf32> to vector<16xf32>
    %swap3A_17 = vector.shape_cast %broadcast_in_dim3A_3 : vector<16xf32> to vector<16xf32>
    tpu.vector_store %arg11[%swap3A], %swap3A_17 {strides = array<i32>} : memref<128xf32, #tpu.memory_space<vmem>>, vector<16xf32>,
    %swap3A_18 = arith.constant 16 : index
    %swap3A_19 = tpu.vector_load %arg11[%swap3A_18] {strides = array<i32>} : memref<128xf32, #tpu.memory_space<vmem>>, vector<16xf32>,
    %swap3A_20 = vector.shape_cast %swap3A_19 : vector<16xf32> to vector<16xf32>
    %swap3A_21 = vector.shape_cast %broadcast_in_dim3A_3 : vector<16xf32> to vector<16xf32>
    tpu.vector_store %arg11[%swap3A_18], %swap3A_21 {strides = array<i32>} : memref<128xf32, #tpu.memory_space<vmem>>, vector<16xf32>,
    %swap3A_22 = arith.constant 32 : index
    %swap3A_23 = tpu.vector_load %arg11[%swap3A_22] {strides = array<i32>} : memref<128xf32, #tpu.memory_space<vmem>>, vector<16xf32>,
    %swap3A_24 = vector.shape_cast %swap3A_23 : vector<16xf32> to vector<16xf32>
    %swap3A_25 = vector.shape_cast %broadcast_in_dim3A_3 : vector<16xf32> to vector<16xf32>
    tpu.vector_store %arg11[%swap3A_22], %swap3A_25 {strides = array<i32>} : memref<128xf32, #tpu.memory_space<vmem>>, vector<16xf32>,
    %swap3A_26 = arith.constant 48 : index
    %swap3A_27 = tpu.vector_load %arg11[%swap3A_26] {strides = array<i32>} : memref<128xf32, #tpu.memory_space<vmem>>, vector<16xf32>,
    %swap3A_28 = vector.shape_cast %swap3A_27 : vector<16xf32> to vector<16xf32>
    %swap3A_29 = vector.shape_cast %broadcast_in_dim3A_3 : vector<16xf32> to vector<16xf32>
    tpu.vector_store %arg11[%swap3A_26], %swap3A_29 {strides = array<i32>} : memref<128xf32, #tpu.memory_space<vmem>>, vector<16xf32>,
    %swap3A_30 = arith.constant 64 : index
    %swap3A_31 = tpu.vector_load %arg11[%swap3A_30] {strides = array<i32>} : memref<128xf32, #tpu.memory_space<vmem>>, vector<16xf32>,
    %swap3A_32 = vector.shape_cast %swap3A_31 : vector<16xf32> to vector<16xf32>
    %swap3A_33 = vector.shape_cast %broadcast_in_dim3A_3 : vector<16xf32> to vector<16xf32>
    tpu.vector_store %arg11[%swap3A_30], %swap3A_33 {strides = array<i32>} : memref<128xf32, #tpu.memory_space<vmem>>, vector<16xf32>,
    %swap3A_34 = arith.constant 80 : index
    %swap3A_35 = tpu.vector_load %arg11[%swap3A_34] {strides = array<i32>} : memref<128xf32, #tpu.memory_space<vmem>>, vector<16xf32>,
    %swap3A_36 = vector.shape_cast %swap3A_35 : vector<16xf32> to vector<16xf32>
    %swap3A_37 = vector.shape_cast %broadcast_in_dim3A_3 : vector<16xf32> to vector<16xf32>
    tpu.vector_store %arg11[%swap3A_34], %swap3A_37 {strides = array<i32>} : memref<128xf32, #tpu.memory_space<vmem>>, vector<16xf32>,
    %swap3A_38 = arith.constant 96 : index
    %swap3A_39 = tpu.vector_load %arg11[%swap3A_38] {strides = array<i32>} : memref<128xf32, #tpu.memory_space<vmem>>, vector<16xf32>,
    %swap3A_40 = vector.shape_cast %swap3A_39 : vector<16xf32> to vector<16xf32>
    %swap3A_41 = vector.shape_cast %broadcast_in_dim3A_3 : vector<16xf32> to vector<16xf32>
    tpu.vector_store %arg11[%swap3A_38], %swap3A_41 {strides = array<i32>} : memref<128xf32, #tpu.memory_space<vmem>>, vector<16xf32>,
    %swap3A_42 = arith.constant 112 : index
    %swap3A_43 = tpu.vector_load %arg11[%swap3A_42] {strides = array<i32>} : memref<128xf32, #tpu.memory_space<vmem>>, vector<16xf32>,
    %swap3A_44 = vector.shape_cast %swap3A_43 : vector<16xf32> to vector<16xf32>
    %swap3A_45 = vector.shape_cast %broadcast_in_dim3A_3 : vector<16xf32> to vector<16xf32>
    tpu.vector_store %arg11[%swap3A_42], %swap3A_45 {strides = array<i32>} : memref<128xf32, #tpu.memory_space<vmem>>, vector<16xf32>,
    %mul3A_46 = arith.constant 640 : i32
    %mul3A_47 = arith.muli %arg1, %mul3A_46 : i32
    %add3A_48 = arith.constant 0 : i32
    %add3A_49 = arith.addi %mul3A_47, %add3A_48 : i32
    "tpu.region"() ({
      %run_scoped3A = tpu.sem_alloc : memref<!tpu.dma_semaphore, #tpu.memory_space<semaphore_mem>>
      %dma_start3A = arith.constant 0 : i32
      %dma_start3A_65 = tpu.memref_slice %arg12[%add3A_49, %dma_start3A] : memref<10240x128xf32, #tpu.memory_space<vmem_shared>> -> memref<128x128xf32, #tpu.memory_space<vmem_shared>>
      %dma_start3A_66 = arith.constant 0 : i32
      %dma_start3A_67 = tpu.memref_slice %arg12[%add3A_49, %dma_start3A_66] : memref<10240x128xf32, #tpu.memory_space<vmem_shared>> -> memref<128x128xf32, #tpu.memory_space<vmem_shared>>
      tpu.enqueue_dma source(%arg9 : memref<128x128xf32, #tpu.memory_space<vmem>>) target(%dma_start3A_67 : memref<128x128xf32, #tpu.memory_space<vmem_shared>>) target_semaphore(%run_scoped3A : memref<!tpu.dma_semaphore, #tpu.memory_space<semaphore_mem>>)
      %dma_wait3A = arith.constant 0 : i32
      %dma_wait3A_68 = tpu.memref_slice %arg12[%add3A_49, %dma_wait3A] : memref<10240x128xf32, #tpu.memory_space<vmem_shared>> -> memref<128x128xf32, #tpu.memory_space<vmem_shared>>
      %dma_wait3A_69 = arith.constant 0 : i32
      %dma_wait3A_70 = tpu.memref_slice %arg12[%add3A_49, %dma_wait3A_69] : memref<10240x128xf32, #tpu.memory_space<vmem_shared>> -> memref<128x128xf32, #tpu.memory_space<vmem_shared>>
      tpu.wait_dma2 semaphore(%run_scoped3A : memref<!tpu.dma_semaphore, #tpu.memory_space<semaphore_mem>>) src(%arg9 : memref<128x128xf32, #tpu.memory_space<vmem>>) dst(%dma_wait3A_70 : memref<128x128xf32, #tpu.memory_space<vmem_shared>>)
      tpu.yield
    }) : () -> ()
    %add3A_50 = arith.constant 128 : i32
    %add3A_51 = arith.addi %mul3A_47, %add3A_50 : i32
    "tpu.region"() ({
      %run_scoped3A = tpu.sem_alloc : memref<!tpu.dma_semaphore, #tpu.memory_space<semaphore_mem>>
      %dma_start3A = arith.constant 0 : i32
      %dma_start3A_65 = tpu.memref_slice %arg12[%add3A_51, %dma_start3A] : memref<10240x128xf32, #tpu.memory_space<vmem_shared>> -> memref<128x128xf32, #tpu.memory_space<vmem_shared>>
      %dma_start3A_66 = arith.constant 0 : i32
      %dma_start3A_67 = tpu.memref_slice %arg12[%add3A_51, %dma_start3A_66] : memref<10240x128xf32, #tpu.memory_space<vmem_shared>> -> memref<128x128xf32, #tpu.memory_space<vmem_shared>>
      tpu.enqueue_dma source(%arg9 : memref<128x128xf32, #tpu.memory_space<vmem>>) target(%dma_start3A_67 : memref<128x128xf32, #tpu.memory_space<vmem_shared>>) target_semaphore(%run_scoped3A : memref<!tpu.dma_semaphore, #tpu.memory_space<semaphore_mem>>)
      %dma_wait3A = arith.constant 0 : i32
      %dma_wait3A_68 = tpu.memref_slice %arg12[%add3A_51, %dma_wait3A] : memref<10240x128xf32, #tpu.memory_space<vmem_shared>> -> memref<128x128xf32, #tpu.memory_space<vmem_shared>>
      %dma_wait3A_69 = arith.constant 0 : i32
      %dma_wait3A_70 = tpu.memref_slice %arg12[%add3A_51, %dma_wait3A_69] : memref<10240x128xf32, #tpu.memory_space<vmem_shared>> -> memref<128x128xf32, #tpu.memory_space<vmem_shared>>
      tpu.wait_dma2 semaphore(%run_scoped3A : memref<!tpu.dma_semaphore, #tpu.memory_space<semaphore_mem>>) src(%arg9 : memref<128x128xf32, #tpu.memory_space<vmem>>) dst(%dma_wait3A_70 : memref<128x128xf32, #tpu.memory_space<vmem_shared>>)
      tpu.yield
    }) : () -> ()
    %add3A_52 = arith.constant 256 : i32
    %add3A_53 = arith.addi %mul3A_47, %add3A_52 : i32
    "tpu.region"() ({
      %run_scoped3A = tpu.sem_alloc : memref<!tpu.dma_semaphore, #tpu.memory_space<semaphore_mem>>
      %dma_start3A = arith.constant 0 : i32
      %dma_start3A_65 = tpu.memref_slice %arg12[%add3A_53, %dma_start3A] : memref<10240x128xf32, #tpu.memory_space<vmem_shared>> -> memref<128x128xf32, #tpu.memory_space<vmem_shared>>
      %dma_start3A_66 = arith.constant 0 : i32
      %dma_start3A_67 = tpu.memref_slice %arg12[%add3A_53, %dma_start3A_66] : memref<10240x128xf32, #tpu.memory_space<vmem_shared>> -> memref<128x128xf32, #tpu.memory_space<vmem_shared>>
      tpu.enqueue_dma source(%arg9 : memref<128x128xf32, #tpu.memory_space<vmem>>) target(%dma_start3A_67 : memref<128x128xf32, #tpu.memory_space<vmem_shared>>) target_semaphore(%run_scoped3A : memref<!tpu.dma_semaphore, #tpu.memory_space<semaphore_mem>>)
      %dma_wait3A = arith.constant 0 : i32
      %dma_wait3A_68 = tpu.memref_slice %arg12[%add3A_53, %dma_wait3A] : memref<10240x128xf32, #tpu.memory_space<vmem_shared>> -> memref<128x128xf32, #tpu.memory_space<vmem_shared>>
      %dma_wait3A_69 = arith.constant 0 : i32
      %dma_wait3A_70 = tpu.memref_slice %arg12[%add3A_53, %dma_wait3A_69] : memref<10240x128xf32, #tpu.memory_space<vmem_shared>> -> memref<128x128xf32, #tpu.memory_space<vmem_shared>>
      tpu.wait_dma2 semaphore(%run_scoped3A : memref<!tpu.dma_semaphore, #tpu.memory_space<semaphore_mem>>) src(%arg9 : memref<128x128xf32, #tpu.memory_space<vmem>>) dst(%dma_wait3A_70 : memref<128x128xf32, #tpu.memory_space<vmem_shared>>)
      tpu.yield
    }) : () -> ()
    %add3A_54 = arith.constant 384 : i32
    %add3A_55 = arith.addi %mul3A_47, %add3A_54 : i32
    "tpu.region"() ({
      %run_scoped3A = tpu.sem_alloc : memref<!tpu.dma_semaphore, #tpu.memory_space<semaphore_mem>>
      %dma_start3A = arith.constant 0 : i32
      %dma_start3A_65 = tpu.memref_slice %arg12[%add3A_55, %dma_start3A] : memref<10240x128xf32, #tpu.memory_space<vmem_shared>> -> memref<128x128xf32, #tpu.memory_space<vmem_shared>>
      %dma_start3A_66 = arith.constant 0 : i32
      %dma_start3A_67 = tpu.memref_slice %arg12[%add3A_55, %dma_start3A_66] : memref<10240x128xf32, #tpu.memory_space<vmem_shared>> -> memref<128x128xf32, #tpu.memory_space<vmem_shared>>
      tpu.enqueue_dma source(%arg9 : memref<128x128xf32, #tpu.memory_space<vmem>>) target(%dma_start3A_67 : memref<128x128xf32, #tpu.memory_space<vmem_shared>>) target_semaphore(%run_scoped3A : memref<!tpu.dma_semaphore, #tpu.memory_space<semaphore_mem>>)
      %dma_wait3A = arith.constant 0 : i32
      %dma_wait3A_68 = tpu.memref_slice %arg12[%add3A_55, %dma_wait3A] : memref<10240x128xf32, #tpu.memory_space<vmem_shared>> -> memref<128x128xf32, #tpu.memory_space<vmem_shared>>
      %dma_wait3A_69 = arith.constant 0 : i32
      %dma_wait3A_70 = tpu.memref_slice %arg12[%add3A_55, %dma_wait3A_69] : memref<10240x128xf32, #tpu.memory_space<vmem_shared>> -> memref<128x128xf32, #tpu.memory_space<vmem_shared>>
      tpu.wait_dma2 semaphore(%run_scoped3A : memref<!tpu.dma_semaphore, #tpu.memory_space<semaphore_mem>>) src(%arg9 : memref<128x128xf32, #tpu.memory_space<vmem>>) dst(%dma_wait3A_70 : memref<128x128xf32, #tpu.memory_space<vmem_shared>>)
      tpu.yield
    }) : () -> ()
    %add3A_56 = arith.constant 512 : i32
    %add3A_57 = arith.addi %mul3A_47, %add3A_56 : i32
    "tpu.region"() ({
      %run_scoped3A = tpu.sem_alloc : memref<!tpu.dma_semaphore, #tpu.memory_space<semaphore_mem>>
      %dma_start3A = arith.constant 0 : i32
      %dma_start3A_65 = tpu.memref_slice %arg12[%add3A_57, %dma_start3A] : memref<10240x128xf32, #tpu.memory_space<vmem_shared>> -> memref<128x128xf32, #tpu.memory_space<vmem_shared>>
      %dma_start3A_66 = arith.constant 0 : i32
      %dma_start3A_67 = tpu.memref_slice %arg12[%add3A_57, %dma_start3A_66] : memref<10240x128xf32, #tpu.memory_space<vmem_shared>> -> memref<128x128xf32, #tpu.memory_space<vmem_shared>>
      tpu.enqueue_dma source(%arg9 : memref<128x128xf32, #tpu.memory_space<vmem>>) target(%dma_start3A_67 : memref<128x128xf32, #tpu.memory_space<vmem_shared>>) target_semaphore(%run_scoped3A : memref<!tpu.dma_semaphore, #tpu.memory_space<semaphore_mem>>)
      %dma_wait3A = arith.constant 0 : i32
      %dma_wait3A_68 = tpu.memref_slice %arg12[%add3A_57, %dma_wait3A] : memref<10240x128xf32, #tpu.memory_space<vmem_shared>> -> memref<128x128xf32, #tpu.memory_space<vmem_shared>>
      %dma_wait3A_69 = arith.constant 0 : i32
      %dma_wait3A_70 = tpu.memref_slice %arg12[%add3A_57, %dma_wait3A_69] : memref<10240x128xf32, #tpu.memory_space<vmem_shared>> -> memref<128x128xf32, #tpu.memory_space<vmem_shared>>
      tpu.wait_dma2 semaphore(%run_scoped3A : memref<!tpu.dma_semaphore, #tpu.memory_space<semaphore_mem>>) src(%arg9 : memref<128x128xf32, #tpu.memory_space<vmem>>) dst(%dma_wait3A_70 : memref<128x128xf32, #tpu.memory_space<vmem_shared>>)
      tpu.yield
    }) : () -> ()
    "tpu.region"() ({
      %run_scoped3A = tpu.sem_alloc : memref<!tpu.dma_semaphore, #tpu.memory_space<semaphore_mem>>
      %dma_start3A = tpu.memref_slice %arg13[%mul3A_47] : memref<10240xf32, #tpu.memory_space<vmem_shared>> -> memref<640xf32, #tpu.memory_space<vmem_shared>>
      %dma_start3A_65 = tpu.memref_slice %arg13[%mul3A_47] : memref<10240xf32, #tpu.memory_space<vmem_shared>> -> memref<640xf32, #tpu.memory_space<vmem_shared>>
      tpu.enqueue_dma source(%arg10 : memref<640xf32, #tpu.memory_space<vmem>>) target(%dma_start3A_65 : memref<640xf32, #tpu.memory_space<vmem_shared>>) target_semaphore(%run_scoped3A : memref<!tpu.dma_semaphore, #tpu.memory_space<semaphore_mem>>)
      %dma_wait3A = tpu.memref_slice %arg13[%mul3A_47] : memref<10240xf32, #tpu.memory_space<vmem_shared>> -> memref<640xf32, #tpu.memory_space<vmem_shared>>
      %dma_wait3A_66 = tpu.memref_slice %arg13[%mul3A_47] : memref<10240xf32, #tpu.memory_space<vmem_shared>> -> memref<640xf32, #tpu.memory_space<vmem_shared>>
      tpu.wait_dma2 semaphore(%run_scoped3A : memref<!tpu.dma_semaphore, #tpu.memory_space<semaphore_mem>>) src(%arg10 : memref<640xf32, #tpu.memory_space<vmem>>) dst(%dma_wait3A_66 : memref<640xf32, #tpu.memory_space<vmem_shared>>)
      tpu.yield
    }) : () -> ()
    %barrier3A = arith.constant 0 : index
    tpu.barrier barrier_id(%barrier3A)
    "tpu.region"() ({
      %run_scoped3A = tpu.sem_alloc : memref<!tpu.dma_semaphore, #tpu.memory_space<semaphore_mem>>
      %dma_start3A = arith.constant 0 : i32
      %dma_start3A_65 = arith.constant 0 : i32
      %dma_start3A_66 = tpu.memref_slice %arg3[%add3A, %dma_start3A, %dma_start3A_65] : memref<32x80x128xi32, #tpu.memory_space<hbm>> -> memref<1x80x128xi32, #tpu.memory_space<hbm>>
      %dma_start3A_67 = tpu.memref_squeeze %dma_start3A_66 : memref<1x80x128xi32, #tpu.memory_space<hbm>> -> memref<80x128xi32, #tpu.memory_space<hbm>>
      %dma_start3A_68 = arith.constant 0 : i32
      %dma_start3A_69 = arith.constant 0 : i32
      %dma_start3A_70 = tpu.memref_slice %arg3[%add3A, %dma_start3A_68, %dma_start3A_69] : memref<32x80x128xi32, #tpu.memory_space<hbm>> -> memref<1x80x128xi32, #tpu.memory_space<hbm>>
      %dma_start3A_71 = tpu.memref_squeeze %dma_start3A_70 : memref<1x80x128xi32, #tpu.memory_space<hbm>> -> memref<80x128xi32, #tpu.memory_space<hbm>>
      tpu.enqueue_dma source(%dma_start3A_71 : memref<80x128xi32, #tpu.memory_space<hbm>>) target(%arg7 : memref<80x128xi32, #tpu.memory_space<vmem>>) target_semaphore(%run_scoped3A : memref<!tpu.dma_semaphore, #tpu.memory_space<semaphore_mem>>)
      %dma_wait3A = arith.constant 0 : i32
      %dma_wait3A_72 = arith.constant 0 : i32
      %dma_wait3A_73 = tpu.memref_slice %arg3[%add3A, %dma_wait3A, %dma_wait3A_72] : memref<32x80x128xi32, #tpu.memory_space<hbm>> -> memref<1x80x128xi32, #tpu.memory_space<hbm>>
      %dma_wait3A_74 = tpu.memref_squeeze %dma_wait3A_73 : memref<1x80x128xi32, #tpu.memory_space<hbm>> -> memref<80x128xi32, #tpu.memory_space<hbm>>
      %dma_wait3A_75 = arith.constant 0 : i32
      %dma_wait3A_76 = arith.constant 0 : i32
      %dma_wait3A_77 = tpu.memref_slice %arg3[%add3A, %dma_wait3A_75, %dma_wait3A_76] : memref<32x80x128xi32, #tpu.memory_space<hbm>> -> memref<1x80x128xi32, #tpu.memory_space<hbm>>
      %dma_wait3A_78 = tpu.memref_squeeze %dma_wait3A_77 : memref<1x80x128xi32, #tpu.memory_space<hbm>> -> memref<80x128xi32, #tpu.memory_space<hbm>>
      tpu.wait_dma2 semaphore(%run_scoped3A : memref<!tpu.dma_semaphore, #tpu.memory_space<semaphore_mem>>) src(%dma_wait3A_78 : memref<80x128xi32, #tpu.memory_space<hbm>>) dst(%arg7 : memref<80x128xi32, #tpu.memory_space<vmem>>)
      tpu.yield
    }) : () -> ()
    "tpu.region"() ({
      %run_scoped3A = tpu.sem_alloc : memref<!tpu.dma_semaphore, #tpu.memory_space<semaphore_mem>>
      %dma_start3A = arith.constant 0 : i32
      %dma_start3A_65 = arith.constant 0 : i32
      %dma_start3A_66 = tpu.memref_slice %arg4[%add3A, %dma_start3A, %dma_start3A_65] : memref<32x80x128xi32, #tpu.memory_space<hbm>> -> memref<1x80x128xi32, #tpu.memory_space<hbm>>
      %dma_start3A_67 = tpu.memref_squeeze %dma_start3A_66 : memref<1x80x128xi32, #tpu.memory_space<hbm>> -> memref<80x128xi32, #tpu.memory_space<hbm>>
      %dma_start3A_68 = arith.constant 0 : i32
      %dma_start3A_69 = arith.constant 0 : i32
      %dma_start3A_70 = tpu.memref_slice %arg4[%add3A, %dma_start3A_68, %dma_start3A_69] : memref<32x80x128xi32, #tpu.memory_space<hbm>> -> memref<1x80x128xi32, #tpu.memory_space<hbm>>
      %dma_start3A_71 = tpu.memref_squeeze %dma_start3A_70 : memref<1x80x128xi32, #tpu.memory_space<hbm>> -> memref<80x128xi32, #tpu.memory_space<hbm>>
      tpu.enqueue_dma source(%dma_start3A_71 : memref<80x128xi32, #tpu.memory_space<hbm>>) target(%arg8 : memref<80x128xi32, #tpu.memory_space<vmem>>) target_semaphore(%run_scoped3A : memref<!tpu.dma_semaphore, #tpu.memory_space<semaphore_mem>>)
      %dma_wait3A = arith.constant 0 : i32
      %dma_wait3A_72 = arith.constant 0 : i32
      %dma_wait3A_73 = tpu.memref_slice %arg4[%add3A, %dma_wait3A, %dma_wait3A_72] : memref<32x80x128xi32, #tpu.memory_space<hbm>> -> memref<1x80x128xi32, #tpu.memory_space<hbm>>
      %dma_wait3A_74 = tpu.memref_squeeze %dma_wait3A_73 : memref<1x80x128xi32, #tpu.memory_space<hbm>> -> memref<80x128xi32, #tpu.memory_space<hbm>>
      %dma_wait3A_75 = arith.constant 0 : i32
      %dma_wait3A_76 = arith.constant 0 : i32
      %dma_wait3A_77 = tpu.memref_slice %arg4[%add3A, %dma_wait3A_75, %dma_wait3A_76] : memref<32x80x128xi32, #tpu.memory_space<hbm>> -> memref<1x80x128xi32, #tpu.memory_space<hbm>>
      %dma_wait3A_78 = tpu.memref_squeeze %dma_wait3A_77 : memref<1x80x128xi32, #tpu.memory_space<hbm>> -> memref<80x128xi32, #tpu.memory_space<hbm>>
      tpu.wait_dma2 semaphore(%run_scoped3A : memref<!tpu.dma_semaphore, #tpu.memory_space<semaphore_mem>>) src(%dma_wait3A_78 : memref<80x128xi32, #tpu.memory_space<hbm>>) dst(%arg8 : memref<80x128xi32, #tpu.memory_space<vmem>>)
      tpu.yield
    }) : () -> ()
    %scan3A_58 = arith.constant 0 : i32
    %scan3A_59 = arith.constant 0 : i32
    %scan3A_60 = arith.constant 80 : i32
    %scan3A_61 = arith.addi %scan3A_59, %scan3A_60 : i32
    %scan3A_62 = arith.constant 1 : i32
    scf.for %scan3A_65 = %scan3A_59 to %scan3A_61 step %scan3A_62  : i32 {
      %dma_start3A = arith.constant 0 : i32
      %dma_start3A_66 = tpu.memref_slice %arg7[%scan3A_65, %dma_start3A] : memref<80x128xi32, #tpu.memory_space<vmem>> -> memref<1x128xi32, #tpu.memory_space<vmem>>
      %dma_start3A_67 = tpu.memref_squeeze %dma_start3A_66 : memref<1x128xi32, #tpu.memory_space<vmem>> -> memref<128xi32, #tpu.memory_space<vmem>>
      %dma_start3A_68 = arith.constant 0 : i32
      %dma_start3A_69 = arith.constant 0 : i32
      %dma_start3A_70 = tpu.memref_slice %arg2[%dma_start3A_68, %dma_start3A_69] : memref<10000x128xf32, #tpu.memory_space<hbm>> -> memref<10000x128xf32, #tpu.memory_space<hbm>>
      tpu.enqueue_indirect_dma source(%dma_start3A_70 : memref<10000x128xf32, #tpu.memory_space<hbm>>) target(%arg9 : memref<128x128xf32, #tpu.memory_space<vmem>>) offsets(%dma_start3A_67 : memref<128xi32, #tpu.memory_space<vmem>>) semaphore(%arg14 : memref<!tpu.dma_semaphore, #tpu.memory_space<semaphore_mem>>)
      %dma_wait3A = arith.constant 0 : i32
      %dma_wait3A_71 = tpu.memref_slice %arg7[%scan3A_65, %dma_wait3A] : memref<80x128xi32, #tpu.memory_space<vmem>> -> memref<1x128xi32, #tpu.memory_space<vmem>>
      %dma_wait3A_72 = tpu.memref_squeeze %dma_wait3A_71 : memref<1x128xi32, #tpu.memory_space<vmem>> -> memref<128xi32, #tpu.memory_space<vmem>>
      %dma_wait3A_73 = arith.constant 0 : i32
      %dma_wait3A_74 = arith.constant 0 : i32
      %dma_wait3A_75 = tpu.memref_slice %arg2[%dma_wait3A_73, %dma_wait3A_74] : memref<10000x128xf32, #tpu.memory_space<hbm>> -> memref<10000x128xf32, #tpu.memory_space<hbm>>
      tpu.wait_indirect_dma semaphore(%arg14 : memref<!tpu.dma_semaphore, #tpu.memory_space<semaphore_mem>>) src(%dma_wait3A_75 : memref<10000x128xf32, #tpu.memory_space<hbm>>) dst(%arg9 : memref<128x128xf32, #tpu.memory_space<vmem>>)
      "tpu.region"() ({
        %run_scoped3A = tpu.sem_alloc : memref<!tpu.dma_semaphore, #tpu.memory_space<semaphore_mem>>
        %dma_start3A_76 = arith.constant 0 : i32
        %dma_start3A_77 = tpu.memref_slice %arg8[%scan3A_65, %dma_start3A_76] : memref<80x128xi32, #tpu.memory_space<vmem>> -> memref<1x128xi32, #tpu.memory_space<vmem>>
        %dma_start3A_78 = tpu.memref_squeeze %dma_start3A_77 : memref<1x128xi32, #tpu.memory_space<vmem>> -> memref<128xi32, #tpu.memory_space<vmem>>
        %dma_start3A_79 = arith.constant 0 : i32
        %dma_start3A_80 = arith.constant 0 : i32
        %dma_start3A_81 = tpu.memref_slice %arg12[%dma_start3A_79, %dma_start3A_80] : memref<10240x128xf32, #tpu.memory_space<vmem_shared>> -> memref<10240x128xf32, #tpu.memory_space<vmem_shared>>
        tpu.enqueue_indirect_dma source(%arg9 : memref<128x128xf32, #tpu.memory_space<vmem>>) target(%dma_start3A_81 : memref<10240x128xf32, #tpu.memory_space<vmem_shared>>) offsets(%dma_start3A_78 : memref<128xi32, #tpu.memory_space<vmem>>) semaphore(%run_scoped3A : memref<!tpu.dma_semaphore, #tpu.memory_space<semaphore_mem>>) {add = true}
        %dma_wait3A_82 = arith.constant 0 : i32
        %dma_wait3A_83 = tpu.memref_slice %arg8[%scan3A_65, %dma_wait3A_82] : memref<80x128xi32, #tpu.memory_space<vmem>> -> memref<1x128xi32, #tpu.memory_space<vmem>>
        %dma_wait3A_84 = tpu.memref_squeeze %dma_wait3A_83 : memref<1x128xi32, #tpu.memory_space<vmem>> -> memref<128xi32, #tpu.memory_space<vmem>>
        %dma_wait3A_85 = arith.constant 0 : i32
        %dma_wait3A_86 = arith.constant 0 : i32
        %dma_wait3A_87 = tpu.memref_slice %arg12[%dma_wait3A_85, %dma_wait3A_86] : memref<10240x128xf32, #tpu.memory_space<vmem_shared>> -> memref<10240x128xf32, #tpu.memory_space<vmem_shared>>
        tpu.wait_indirect_dma semaphore(%run_scoped3A : memref<!tpu.dma_semaphore, #tpu.memory_space<semaphore_mem>>) src(%arg9 : memref<128x128xf32, #tpu.memory_space<vmem>>) dst(%dma_wait3A_87 : memref<10240x128xf32, #tpu.memory_space<vmem_shared>>)
        tpu.yield
      }) : () -> ()
      "tpu.region"() ({
        %run_scoped3A = tpu.sem_alloc : memref<!tpu.dma_semaphore, #tpu.memory_space<semaphore_mem>>
        %dma_start3A_76 = arith.constant 0 : i32
        %dma_start3A_77 = tpu.memref_slice %arg8[%scan3A_65, %dma_start3A_76] : memref<80x128xi32, #tpu.memory_space<vmem>> -> memref<1x128xi32, #tpu.memory_space<vmem>>
        %dma_start3A_78 = tpu.memref_squeeze %dma_start3A_77 : memref<1x128xi32, #tpu.memory_space<vmem>> -> memref<128xi32, #tpu.memory_space<vmem>>
        %dma_start3A_79 = arith.constant 0 : i32
        %dma_start3A_80 = tpu.memref_slice %arg13[%dma_start3A_79] : memref<10240xf32, #tpu.memory_space<vmem_shared>> -> memref<10240xf32, #tpu.memory_space<vmem_shared>>
        tpu.enqueue_indirect_dma source(%arg11 : memref<128xf32, #tpu.memory_space<vmem>>) target(%dma_start3A_80 : memref<10240xf32, #tpu.memory_space<vmem_shared>>) offsets(%dma_start3A_78 : memref<128xi32, #tpu.memory_space<vmem>>) semaphore(%run_scoped3A : memref<!tpu.dma_semaphore, #tpu.memory_space<semaphore_mem>>) {add = true}
        %dma_wait3A_81 = arith.constant 0 : i32
        %dma_wait3A_82 = tpu.memref_slice %arg8[%scan3A_65, %dma_wait3A_81] : memref<80x128xi32, #tpu.memory_space<vmem>> -> memref<1x128xi32, #tpu.memory_space<vmem>>
        %dma_wait3A_83 = tpu.memref_squeeze %dma_wait3A_82 : memref<1x128xi32, #tpu.memory_space<vmem>> -> memref<128xi32, #tpu.memory_space<vmem>>
        %dma_wait3A_84 = arith.constant 0 : i32
        %dma_wait3A_85 = tpu.memref_slice %arg13[%dma_wait3A_84] : memref<10240xf32, #tpu.memory_space<vmem_shared>> -> memref<10240xf32, #tpu.memory_space<vmem_shared>>
        tpu.wait_indirect_dma semaphore(%run_scoped3A : memref<!tpu.dma_semaphore, #tpu.memory_space<semaphore_mem>>) src(%arg11 : memref<128xf32, #tpu.memory_space<vmem>>) dst(%dma_wait3A_85 : memref<10240xf32, #tpu.memory_space<vmem_shared>>)
        tpu.yield
      }) : () -> ()
    }
    %scan3A_63 = arith.constant 80 : i32
    %barrier3A_64 = arith.constant 0 : index
    tpu.barrier barrier_id(%barrier3A_64)
    "tpu.region"() ({
      %run_scoped3A = tpu.sem_alloc : memref<!tpu.dma_semaphore, #tpu.memory_space<semaphore_mem>>
      %dma_start3A = arith.constant 0 : i32
      %dma_start3A_65 = tpu.memref_slice %arg5[%arg0, %mul3A_47, %dma_start3A] : memref<2x10240x128xf32, #tpu.memory_space<hbm>> -> memref<1x640x128xf32, #tpu.memory_space<hbm>>
      %dma_start3A_66 = tpu.memref_squeeze %dma_start3A_65 : memref<1x640x128xf32, #tpu.memory_space<hbm>> -> memref<640x128xf32, #tpu.memory_space<hbm>>
      %dma_start3A_67 = arith.constant 0 : i32
      %dma_start3A_68 = tpu.memref_slice %arg12[%mul3A_47, %dma_start3A_67] : memref<10240x128xf32, #tpu.memory_space<vmem_shared>> -> memref<640x128xf32, #tpu.memory_space<vmem_shared>>
      tpu.enqueue_dma source(%dma_start3A_68 : memref<640x128xf32, #tpu.memory_space<vmem_shared>>) target(%dma_start3A_66 : memref<640x128xf32, #tpu.memory_space<hbm>>) target_semaphore(%run_scoped3A : memref<!tpu.dma_semaphore, #tpu.memory_space<semaphore_mem>>)
      %dma_wait3A = arith.constant 0 : i32
      %dma_wait3A_69 = tpu.memref_slice %arg5[%arg0, %mul3A_47, %dma_wait3A] : memref<2x10240x128xf32, #tpu.memory_space<hbm>> -> memref<1x640x128xf32, #tpu.memory_space<hbm>>
      %dma_wait3A_70 = tpu.memref_squeeze %dma_wait3A_69 : memref<1x640x128xf32, #tpu.memory_space<hbm>> -> memref<640x128xf32, #tpu.memory_space<hbm>>
      %dma_wait3A_71 = arith.constant 0 : i32
      %dma_wait3A_72 = tpu.memref_slice %arg12[%mul3A_47, %dma_wait3A_71] : memref<10240x128xf32, #tpu.memory_space<vmem_shared>> -> memref<640x128xf32, #tpu.memory_space<vmem_shared>>
      tpu.wait_dma2 semaphore(%run_scoped3A : memref<!tpu.dma_semaphore, #tpu.memory_space<semaphore_mem>>) src(%dma_wait3A_72 : memref<640x128xf32, #tpu.memory_space<vmem_shared>>) dst(%dma_wait3A_70 : memref<640x128xf32, #tpu.memory_space<hbm>>)
      tpu.yield
    }) : () -> ()
    "tpu.region"() ({
      %run_scoped3A = tpu.sem_alloc : memref<!tpu.dma_semaphore, #tpu.memory_space<semaphore_mem>>
      %dma_start3A = tpu.memref_slice %arg6[%arg0, %mul3A_47] : memref<2x10240xf32, #tpu.memory_space<hbm>> -> memref<1x640xf32, #tpu.memory_space<hbm>>
      %dma_start3A_65 = tpu.memref_squeeze %dma_start3A : memref<1x640xf32, #tpu.memory_space<hbm>> -> memref<640xf32, #tpu.memory_space<hbm>>
      %dma_start3A_66 = tpu.memref_slice %arg13[%mul3A_47] : memref<10240xf32, #tpu.memory_space<vmem_shared>> -> memref<640xf32, #tpu.memory_space<vmem_shared>>
      tpu.enqueue_dma source(%dma_start3A_66 : memref<640xf32, #tpu.memory_space<vmem_shared>>) target(%dma_start3A_65 : memref<640xf32, #tpu.memory_space<hbm>>) target_semaphore(%run_scoped3A : memref<!tpu.dma_semaphore, #tpu.memory_space<semaphore_mem>>)
      %dma_wait3A = tpu.memref_slice %arg6[%arg0, %mul3A_47] : memref<2x10240xf32, #tpu.memory_space<hbm>> -> memref<1x640xf32, #tpu.memory_space<hbm>>
      %dma_wait3A_67 = tpu.memref_squeeze %dma_wait3A : memref<1x640xf32, #tpu.memory_space<hbm>> -> memref<640xf32, #tpu.memory_space<hbm>>
      %dma_wait3A_68 = tpu.memref_slice %arg13[%mul3A_47] : memref<10240xf32, #tpu.memory_space<vmem_shared>> -> memref<640xf32, #tpu.memory_space<vmem_shared>>
      tpu.wait_dma2 semaphore(%run_scoped3A : memref<!tpu.dma_semaphore, #tpu.memory_space<semaphore_mem>>) src(%dma_wait3A_68 : memref<640xf32, #tpu.memory_space<vmem_shared>>) dst(%dma_wait3A_67 : memref<640xf32, #tpu.memory_space<hbm>>)
      tpu.yield
    }) : () -> ()
    return
  }
}

#map = affine_map<(d0, d1) -> (0, 0)>
#map1 = affine_map<(d0, d1) -> (0, 0, 0)>
module attributes {stable_mosaic.version = 14 : i64} {
  func.func @_sc_aggregate_body(%arg0: i32, %arg1: i32, %arg2: memref<10000x128xf32, #tpu.memory_space<hbm>>, %arg3: memref<32x80x128xi32, #tpu.memory_space<hbm>>, %arg4: memref<32x80x128xi32, #tpu.memory_space<hbm>>, %arg5: memref<2x10240x128xf32, #tpu.memory_space<hbm>>, %arg6: memref<2x10240xf32, #tpu.memory_space<hbm>>, %arg7: memref<80x128xi32, #tpu.memory_space<vmem>>, %arg8: memref<80x128xi32, #tpu.memory_space<vmem>>, %arg9: memref<128x128xf32, #tpu.memory_space<vmem>>, %arg10: memref<640xf32, #tpu.memory_space<vmem>>, %arg11: memref<128xf32, #tpu.memory_space<vmem>>, %arg12: memref<10240x128xf32, #tpu.memory_space<vmem_shared>>, %arg13: memref<10240xf32, #tpu.memory_space<vmem_shared>>, %arg14: memref<!tpu.dma_semaphore, #tpu.memory_space<semaphore_mem>>) attributes {dimension_semantics = [#tpu.dimension_semantics<core_parallel>, #tpu.dimension_semantics<subcore_parallel>], iteration_bounds = array<i64: 2, 16>, scalar_prefetch = 0 : i64, scratch_operands = 8 : i64, tpu.core_type = #tpu.core_type<sc_vector_subcore>, window_params = [{transform_indices = #map}, {transform_indices = #map1}, {transform_indices = #map1}, {transform_indices = #map1}, {transform_indices = #map}]} {
    %mul3A = arith.constant 16 : i32
    %mul3A_0 = arith.muli %arg0, %mul3A : i32
    %add3A = arith.addi %mul3A_0, %arg1 : i32
    %broadcast_in_dim3A = arith.constant 0.000000e+00 : f32
    %broadcast_in_dim3A_1 = vector.broadcast %broadcast_in_dim3A : f32 to vector<16xf32>
    %broadcast_in_dim3A_2 = arith.constant 1.000000e+00 : f32
    %broadcast_in_dim3A_3 = vector.broadcast %broadcast_in_dim3A_2 : f32 to vector<16xf32>
    %scan3A = arith.constant 0 : i32
    %scan3A_4 = arith.constant 0 : i32
    %scan3A_5 = arith.constant 128 : i32
    %scan3A_6 = arith.addi %scan3A_4, %scan3A_5 : i32
    %scan3A_7 = arith.constant 1 : i32
    scf.for %scan3A_65 = %scan3A_4 to %scan3A_6 step %scan3A_7  : i32 {
      %swap3A_66 = arith.index_cast %scan3A_65 : i32 to index
      %swap3A_67 = arith.constant 0 : index
      %swap3A_68 = tpu.vector_load %arg9[%swap3A_66, %swap3A_67] {strides = array<i32>} : memref<128x128xf32, #tpu.memory_space<vmem>>, vector<1x16xf32>,
      %swap3A_69 = vector.shape_cast %swap3A_68 : vector<1x16xf32> to vector<16xf32>
      %swap3A_70 = vector.shape_cast %broadcast_in_dim3A_1 : vector<16xf32> to vector<1x16xf32>
      tpu.vector_store %arg9[%swap3A_66, %swap3A_67], %swap3A_70 {strides = array<i32>} : memref<128x128xf32, #tpu.memory_space<vmem>>, vector<1x16xf32>,
      %swap3A_71 = arith.index_cast %scan3A_65 : i32 to index
      %swap3A_72 = arith.constant 16 : index
      %swap3A_73 = tpu.vector_load %arg9[%swap3A_71, %swap3A_72] {strides = array<i32>} : memref<128x128xf32, #tpu.memory_space<vmem>>, vector<1x16xf32>,
      %swap3A_74 = vector.shape_cast %swap3A_73 : vector<1x16xf32> to vector<16xf32>
      %swap3A_75 = vector.shape_cast %broadcast_in_dim3A_1 : vector<16xf32> to vector<1x16xf32>
      tpu.vector_store %arg9[%swap3A_71, %swap3A_72], %swap3A_75 {strides = array<i32>} : memref<128x128xf32, #tpu.memory_space<vmem>>, vector<1x16xf32>,
      %swap3A_76 = arith.index_cast %scan3A_65 : i32 to index
      %swap3A_77 = arith.constant 32 : index
      %swap3A_78 = tpu.vector_load %arg9[%swap3A_76, %swap3A_77] {strides = array<i32>} : memref<128x128xf32, #tpu.memory_space<vmem>>, vector<1x16xf32>,
      %swap3A_79 = vector.shape_cast %swap3A_78 : vector<1x16xf32> to vector<16xf32>
      %swap3A_80 = vector.shape_cast %broadcast_in_dim3A_1 : vector<16xf32> to vector<1x16xf32>
      tpu.vector_store %arg9[%swap3A_76, %swap3A_77], %swap3A_80 {strides = array<i32>} : memref<128x128xf32, #tpu.memory_space<vmem>>, vector<1x16xf32>,
      %swap3A_81 = arith.index_cast %scan3A_65 : i32 to index
      %swap3A_82 = arith.constant 48 : index
      %swap3A_83 = tpu.vector_load %arg9[%swap3A_81, %swap3A_82] {strides = array<i32>} : memref<128x128xf32, #tpu.memory_space<vmem>>, vector<1x16xf32>,
      %swap3A_84 = vector.shape_cast %swap3A_83 : vector<1x16xf32> to vector<16xf32>
      %swap3A_85 = vector.shape_cast %broadcast_in_dim3A_1 : vector<16xf32> to vector<1x16xf32>
      tpu.vector_store %arg9[%swap3A_81, %swap3A_82], %swap3A_85 {strides = array<i32>} : memref<128x128xf32, #tpu.memory_space<vmem>>, vector<1x16xf32>,
      %swap3A_86 = arith.index_cast %scan3A_65 : i32 to index
      %swap3A_87 = arith.constant 64 : index
      %swap3A_88 = tpu.vector_load %arg9[%swap3A_86, %swap3A_87] {strides = array<i32>} : memref<128x128xf32, #tpu.memory_space<vmem>>, vector<1x16xf32>,
      %swap3A_89 = vector.shape_cast %swap3A_88 : vector<1x16xf32> to vector<16xf32>
      %swap3A_90 = vector.shape_cast %broadcast_in_dim3A_1 : vector<16xf32> to vector<1x16xf32>
      tpu.vector_store %arg9[%swap3A_86, %swap3A_87], %swap3A_90 {strides = array<i32>} : memref<128x128xf32, #tpu.memory_space<vmem>>, vector<1x16xf32>,
      %swap3A_91 = arith.index_cast %scan3A_65 : i32 to index
      %swap3A_92 = arith.constant 80 : index
      %swap3A_93 = tpu.vector_load %arg9[%swap3A_91, %swap3A_92] {strides = array<i32>} : memref<128x128xf32, #tpu.memory_space<vmem>>, vector<1x16xf32>,
      %swap3A_94 = vector.shape_cast %swap3A_93 : vector<1x16xf32> to vector<16xf32>
      %swap3A_95 = vector.shape_cast %broadcast_in_dim3A_1 : vector<16xf32> to vector<1x16xf32>
      tpu.vector_store %arg9[%swap3A_91, %swap3A_92], %swap3A_95 {strides = array<i32>} : memref<128x128xf32, #tpu.memory_space<vmem>>, vector<1x16xf32>,
      %swap3A_96 = arith.index_cast %scan3A_65 : i32 to index
      %swap3A_97 = arith.constant 96 : index
      %swap3A_98 = tpu.vector_load %arg9[%swap3A_96, %swap3A_97] {strides = array<i32>} : memref<128x128xf32, #tpu.memory_space<vmem>>, vector<1x16xf32>,
      %swap3A_99 = vector.shape_cast %swap3A_98 : vector<1x16xf32> to vector<16xf32>
      %swap3A_100 = vector.shape_cast %broadcast_in_dim3A_1 : vector<16xf32> to vector<1x16xf32>
      tpu.vector_store %arg9[%swap3A_96, %swap3A_97], %swap3A_100 {strides = array<i32>} : memref<128x128xf32, #tpu.memory_space<vmem>>, vector<1x16xf32>,
      %swap3A_101 = arith.index_cast %scan3A_65 : i32 to index
      %swap3A_102 = arith.constant 112 : index
      %swap3A_103 = tpu.vector_load %arg9[%swap3A_101, %swap3A_102] {strides = array<i32>} : memref<128x128xf32, #tpu.memory_space<vmem>>, vector<1x16xf32>,
      %swap3A_104 = vector.shape_cast %swap3A_103 : vector<1x16xf32> to vector<16xf32>
      %swap3A_105 = vector.shape_cast %broadcast_in_dim3A_1 : vector<16xf32> to vector<1x16xf32>
      tpu.vector_store %arg9[%swap3A_101, %swap3A_102], %swap3A_105 {strides = array<i32>} : memref<128x128xf32, #tpu.memory_space<vmem>>, vector<1x16xf32>,
    }
    %scan3A_8 = arith.constant 128 : i32
    %scan3A_9 = arith.constant 0 : i32
    %scan3A_10 = arith.constant 0 : i32
    %scan3A_11 = arith.constant 40 : i32
    %scan3A_12 = arith.addi %scan3A_10, %scan3A_11 : i32
    %scan3A_13 = arith.constant 1 : i32
    scf.for %scan3A_65 = %scan3A_10 to %scan3A_12 step %scan3A_13  : i32 {
      %mul3A_66 = arith.constant 16 : i32
      %mul3A_67 = arith.muli %scan3A_65, %mul3A_66 : i32
      %swap3A_68 = arith.index_cast %mul3A_67 : i32 to index
      %swap3A_69 = tpu.vector_load %arg10[%swap3A_68] {strides = array<i32>} : memref<640xf32, #tpu.memory_space<vmem>>, vector<16xf32>,
      %swap3A_70 = vector.shape_cast %swap3A_69 : vector<16xf32> to vector<16xf32>
      %swap3A_71 = vector.shape_cast %broadcast_in_dim3A_1 : vector<16xf32> to vector<16xf32>
      tpu.vector_store %arg10[%swap3A_68], %swap3A_71 {strides = array<i32>} : memref<640xf32, #tpu.memory_space<vmem>>, vector<16xf32>,
    }
    %scan3A_14 = arith.constant 40 : i32
    %swap3A = arith.constant 0 : index
    %swap3A_15 = tpu.vector_load %arg11[%swap3A] {strides = array<i32>} : memref<128xf32, #tpu.memory_space<vmem>>, vector<16xf32>,
    %swap3A_16 = vector.shape_cast %swap3A_15 : vector<16xf32> to vector<16xf32>
    %swap3A_17 = vector.shape_cast %broadcast_in_dim3A_3 : vector<16xf32> to vector<16xf32>
    tpu.vector_store %arg11[%swap3A], %swap3A_17 {strides = array<i32>} : memref<128xf32, #tpu.memory_space<vmem>>, vector<16xf32>,
    %swap3A_18 = arith.constant 16 : index
    %swap3A_19 = tpu.vector_load %arg11[%swap3A_18] {strides = array<i32>} : memref<128xf32, #tpu.memory_space<vmem>>, vector<16xf32>,
    %swap3A_20 = vector.shape_cast %swap3A_19 : vector<16xf32> to vector<16xf32>
    %swap3A_21 = vector.shape_cast %broadcast_in_dim3A_3 : vector<16xf32> to vector<16xf32>
    tpu.vector_store %arg11[%swap3A_18], %swap3A_21 {strides = array<i32>} : memref<128xf32, #tpu.memory_space<vmem>>, vector<16xf32>,
    %swap3A_22 = arith.constant 32 : index
    %swap3A_23 = tpu.vector_load %arg11[%swap3A_22] {strides = array<i32>} : memref<128xf32, #tpu.memory_space<vmem>>, vector<16xf32>,
    %swap3A_24 = vector.shape_cast %swap3A_23 : vector<16xf32> to vector<16xf32>
    %swap3A_25 = vector.shape_cast %broadcast_in_dim3A_3 : vector<16xf32> to vector<16xf32>
    tpu.vector_store %arg11[%swap3A_22], %swap3A_25 {strides = array<i32>} : memref<128xf32, #tpu.memory_space<vmem>>, vector<16xf32>,
    %swap3A_26 = arith.constant 48 : index
    %swap3A_27 = tpu.vector_load %arg11[%swap3A_26] {strides = array<i32>} : memref<128xf32, #tpu.memory_space<vmem>>, vector<16xf32>,
    %swap3A_28 = vector.shape_cast %swap3A_27 : vector<16xf32> to vector<16xf32>
    %swap3A_29 = vector.shape_cast %broadcast_in_dim3A_3 : vector<16xf32> to vector<16xf32>
    tpu.vector_store %arg11[%swap3A_26], %swap3A_29 {strides = array<i32>} : memref<128xf32, #tpu.memory_space<vmem>>, vector<16xf32>,
    %swap3A_30 = arith.constant 64 : index
    %swap3A_31 = tpu.vector_load %arg11[%swap3A_30] {strides = array<i32>} : memref<128xf32, #tpu.memory_space<vmem>>, vector<16xf32>,
    %swap3A_32 = vector.shape_cast %swap3A_31 : vector<16xf32> to vector<16xf32>
    %swap3A_33 = vector.shape_cast %broadcast_in_dim3A_3 : vector<16xf32> to vector<16xf32>
    tpu.vector_store %arg11[%swap3A_30], %swap3A_33 {strides = array<i32>} : memref<128xf32, #tpu.memory_space<vmem>>, vector<16xf32>,
    %swap3A_34 = arith.constant 80 : index
    %swap3A_35 = tpu.vector_load %arg11[%swap3A_34] {strides = array<i32>} : memref<128xf32, #tpu.memory_space<vmem>>, vector<16xf32>,
    %swap3A_36 = vector.shape_cast %swap3A_35 : vector<16xf32> to vector<16xf32>
    %swap3A_37 = vector.shape_cast %broadcast_in_dim3A_3 : vector<16xf32> to vector<16xf32>
    tpu.vector_store %arg11[%swap3A_34], %swap3A_37 {strides = array<i32>} : memref<128xf32, #tpu.memory_space<vmem>>, vector<16xf32>,
    %swap3A_38 = arith.constant 96 : index
    %swap3A_39 = tpu.vector_load %arg11[%swap3A_38] {strides = array<i32>} : memref<128xf32, #tpu.memory_space<vmem>>, vector<16xf32>,
    %swap3A_40 = vector.shape_cast %swap3A_39 : vector<16xf32> to vector<16xf32>
    %swap3A_41 = vector.shape_cast %broadcast_in_dim3A_3 : vector<16xf32> to vector<16xf32>
    tpu.vector_store %arg11[%swap3A_38], %swap3A_41 {strides = array<i32>} : memref<128xf32, #tpu.memory_space<vmem>>, vector<16xf32>,
    %swap3A_42 = arith.constant 112 : index
    %swap3A_43 = tpu.vector_load %arg11[%swap3A_42] {strides = array<i32>} : memref<128xf32, #tpu.memory_space<vmem>>, vector<16xf32>,
    %swap3A_44 = vector.shape_cast %swap3A_43 : vector<16xf32> to vector<16xf32>
    %swap3A_45 = vector.shape_cast %broadcast_in_dim3A_3 : vector<16xf32> to vector<16xf32>
    tpu.vector_store %arg11[%swap3A_42], %swap3A_45 {strides = array<i32>} : memref<128xf32, #tpu.memory_space<vmem>>, vector<16xf32>,
    %mul3A_46 = arith.constant 640 : i32
    %mul3A_47 = arith.muli %arg1, %mul3A_46 : i32
    %add3A_48 = arith.constant 0 : i32
    %add3A_49 = arith.addi %mul3A_47, %add3A_48 : i32
    "tpu.region"() ({
      %run_scoped3A = tpu.sem_alloc : memref<!tpu.dma_semaphore, #tpu.memory_space<semaphore_mem>>
      %dma_start3A = arith.constant 0 : i32
      %dma_start3A_65 = tpu.memref_slice %arg12[%add3A_49, %dma_start3A] : memref<10240x128xf32, #tpu.memory_space<vmem_shared>> -> memref<128x128xf32, #tpu.memory_space<vmem_shared>>
      %dma_start3A_66 = arith.constant 0 : i32
      %dma_start3A_67 = tpu.memref_slice %arg12[%add3A_49, %dma_start3A_66] : memref<10240x128xf32, #tpu.memory_space<vmem_shared>> -> memref<128x128xf32, #tpu.memory_space<vmem_shared>>
      tpu.enqueue_dma source(%arg9 : memref<128x128xf32, #tpu.memory_space<vmem>>) target(%dma_start3A_67 : memref<128x128xf32, #tpu.memory_space<vmem_shared>>) target_semaphore(%run_scoped3A : memref<!tpu.dma_semaphore, #tpu.memory_space<semaphore_mem>>)
      %dma_wait3A = arith.constant 0 : i32
      %dma_wait3A_68 = tpu.memref_slice %arg12[%add3A_49, %dma_wait3A] : memref<10240x128xf32, #tpu.memory_space<vmem_shared>> -> memref<128x128xf32, #tpu.memory_space<vmem_shared>>
      %dma_wait3A_69 = arith.constant 0 : i32
      %dma_wait3A_70 = tpu.memref_slice %arg12[%add3A_49, %dma_wait3A_69] : memref<10240x128xf32, #tpu.memory_space<vmem_shared>> -> memref<128x128xf32, #tpu.memory_space<vmem_shared>>
      tpu.wait_dma2 semaphore(%run_scoped3A : memref<!tpu.dma_semaphore, #tpu.memory_space<semaphore_mem>>) src(%arg9 : memref<128x128xf32, #tpu.memory_space<vmem>>) dst(%dma_wait3A_70 : memref<128x128xf32, #tpu.memory_space<vmem_shared>>)
      tpu.yield
    }) : () -> ()
    %add3A_50 = arith.constant 128 : i32
    %add3A_51 = arith.addi %mul3A_47, %add3A_50 : i32
    "tpu.region"() ({
      %run_scoped3A = tpu.sem_alloc : memref<!tpu.dma_semaphore, #tpu.memory_space<semaphore_mem>>
      %dma_start3A = arith.constant 0 : i32
      %dma_start3A_65 = tpu.memref_slice %arg12[%add3A_51, %dma_start3A] : memref<10240x128xf32, #tpu.memory_space<vmem_shared>> -> memref<128x128xf32, #tpu.memory_space<vmem_shared>>
      %dma_start3A_66 = arith.constant 0 : i32
      %dma_start3A_67 = tpu.memref_slice %arg12[%add3A_51, %dma_start3A_66] : memref<10240x128xf32, #tpu.memory_space<vmem_shared>> -> memref<128x128xf32, #tpu.memory_space<vmem_shared>>
      tpu.enqueue_dma source(%arg9 : memref<128x128xf32, #tpu.memory_space<vmem>>) target(%dma_start3A_67 : memref<128x128xf32, #tpu.memory_space<vmem_shared>>) target_semaphore(%run_scoped3A : memref<!tpu.dma_semaphore, #tpu.memory_space<semaphore_mem>>)
      %dma_wait3A = arith.constant 0 : i32
      %dma_wait3A_68 = tpu.memref_slice %arg12[%add3A_51, %dma_wait3A] : memref<10240x128xf32, #tpu.memory_space<vmem_shared>> -> memref<128x128xf32, #tpu.memory_space<vmem_shared>>
      %dma_wait3A_69 = arith.constant 0 : i32
      %dma_wait3A_70 = tpu.memref_slice %arg12[%add3A_51, %dma_wait3A_69] : memref<10240x128xf32, #tpu.memory_space<vmem_shared>> -> memref<128x128xf32, #tpu.memory_space<vmem_shared>>
      tpu.wait_dma2 semaphore(%run_scoped3A : memref<!tpu.dma_semaphore, #tpu.memory_space<semaphore_mem>>) src(%arg9 : memref<128x128xf32, #tpu.memory_space<vmem>>) dst(%dma_wait3A_70 : memref<128x128xf32, #tpu.memory_space<vmem_shared>>)
      tpu.yield
    }) : () -> ()
    %add3A_52 = arith.constant 256 : i32
    %add3A_53 = arith.addi %mul3A_47, %add3A_52 : i32
    "tpu.region"() ({
      %run_scoped3A = tpu.sem_alloc : memref<!tpu.dma_semaphore, #tpu.memory_space<semaphore_mem>>
      %dma_start3A = arith.constant 0 : i32
      %dma_start3A_65 = tpu.memref_slice %arg12[%add3A_53, %dma_start3A] : memref<10240x128xf32, #tpu.memory_space<vmem_shared>> -> memref<128x128xf32, #tpu.memory_space<vmem_shared>>
      %dma_start3A_66 = arith.constant 0 : i32
      %dma_start3A_67 = tpu.memref_slice %arg12[%add3A_53, %dma_start3A_66] : memref<10240x128xf32, #tpu.memory_space<vmem_shared>> -> memref<128x128xf32, #tpu.memory_space<vmem_shared>>
      tpu.enqueue_dma source(%arg9 : memref<128x128xf32, #tpu.memory_space<vmem>>) target(%dma_start3A_67 : memref<128x128xf32, #tpu.memory_space<vmem_shared>>) target_semaphore(%run_scoped3A : memref<!tpu.dma_semaphore, #tpu.memory_space<semaphore_mem>>)
      %dma_wait3A = arith.constant 0 : i32
      %dma_wait3A_68 = tpu.memref_slice %arg12[%add3A_53, %dma_wait3A] : memref<10240x128xf32, #tpu.memory_space<vmem_shared>> -> memref<128x128xf32, #tpu.memory_space<vmem_shared>>
      %dma_wait3A_69 = arith.constant 0 : i32
      %dma_wait3A_70 = tpu.memref_slice %arg12[%add3A_53, %dma_wait3A_69] : memref<10240x128xf32, #tpu.memory_space<vmem_shared>> -> memref<128x128xf32, #tpu.memory_space<vmem_shared>>
      tpu.wait_dma2 semaphore(%run_scoped3A : memref<!tpu.dma_semaphore, #tpu.memory_space<semaphore_mem>>) src(%arg9 : memref<128x128xf32, #tpu.memory_space<vmem>>) dst(%dma_wait3A_70 : memref<128x128xf32, #tpu.memory_space<vmem_shared>>)
      tpu.yield
    }) : () -> ()
    %add3A_54 = arith.constant 384 : i32
    %add3A_55 = arith.addi %mul3A_47, %add3A_54 : i32
    "tpu.region"() ({
      %run_scoped3A = tpu.sem_alloc : memref<!tpu.dma_semaphore, #tpu.memory_space<semaphore_mem>>
      %dma_start3A = arith.constant 0 : i32
      %dma_start3A_65 = tpu.memref_slice %arg12[%add3A_55, %dma_start3A] : memref<10240x128xf32, #tpu.memory_space<vmem_shared>> -> memref<128x128xf32, #tpu.memory_space<vmem_shared>>
      %dma_start3A_66 = arith.constant 0 : i32
      %dma_start3A_67 = tpu.memref_slice %arg12[%add3A_55, %dma_start3A_66] : memref<10240x128xf32, #tpu.memory_space<vmem_shared>> -> memref<128x128xf32, #tpu.memory_space<vmem_shared>>
      tpu.enqueue_dma source(%arg9 : memref<128x128xf32, #tpu.memory_space<vmem>>) target(%dma_start3A_67 : memref<128x128xf32, #tpu.memory_space<vmem_shared>>) target_semaphore(%run_scoped3A : memref<!tpu.dma_semaphore, #tpu.memory_space<semaphore_mem>>)
      %dma_wait3A = arith.constant 0 : i32
      %dma_wait3A_68 = tpu.memref_slice %arg12[%add3A_55, %dma_wait3A] : memref<10240x128xf32, #tpu.memory_space<vmem_shared>> -> memref<128x128xf32, #tpu.memory_space<vmem_shared>>
      %dma_wait3A_69 = arith.constant 0 : i32
      %dma_wait3A_70 = tpu.memref_slice %arg12[%add3A_55, %dma_wait3A_69] : memref<10240x128xf32, #tpu.memory_space<vmem_shared>> -> memref<128x128xf32, #tpu.memory_space<vmem_shared>>
      tpu.wait_dma2 semaphore(%run_scoped3A : memref<!tpu.dma_semaphore, #tpu.memory_space<semaphore_mem>>) src(%arg9 : memref<128x128xf32, #tpu.memory_space<vmem>>) dst(%dma_wait3A_70 : memref<128x128xf32, #tpu.memory_space<vmem_shared>>)
      tpu.yield
    }) : () -> ()
    %add3A_56 = arith.constant 512 : i32
    %add3A_57 = arith.addi %mul3A_47, %add3A_56 : i32
    "tpu.region"() ({
      %run_scoped3A = tpu.sem_alloc : memref<!tpu.dma_semaphore, #tpu.memory_space<semaphore_mem>>
      %dma_start3A = arith.constant 0 : i32
      %dma_start3A_65 = tpu.memref_slice %arg12[%add3A_57, %dma_start3A] : memref<10240x128xf32, #tpu.memory_space<vmem_shared>> -> memref<128x128xf32, #tpu.memory_space<vmem_shared>>
      %dma_start3A_66 = arith.constant 0 : i32
      %dma_start3A_67 = tpu.memref_slice %arg12[%add3A_57, %dma_start3A_66] : memref<10240x128xf32, #tpu.memory_space<vmem_shared>> -> memref<128x128xf32, #tpu.memory_space<vmem_shared>>
      tpu.enqueue_dma source(%arg9 : memref<128x128xf32, #tpu.memory_space<vmem>>) target(%dma_start3A_67 : memref<128x128xf32, #tpu.memory_space<vmem_shared>>) target_semaphore(%run_scoped3A : memref<!tpu.dma_semaphore, #tpu.memory_space<semaphore_mem>>)
      %dma_wait3A = arith.constant 0 : i32
      %dma_wait3A_68 = tpu.memref_slice %arg12[%add3A_57, %dma_wait3A] : memref<10240x128xf32, #tpu.memory_space<vmem_shared>> -> memref<128x128xf32, #tpu.memory_space<vmem_shared>>
      %dma_wait3A_69 = arith.constant 0 : i32
      %dma_wait3A_70 = tpu.memref_slice %arg12[%add3A_57, %dma_wait3A_69] : memref<10240x128xf32, #tpu.memory_space<vmem_shared>> -> memref<128x128xf32, #tpu.memory_space<vmem_shared>>
      tpu.wait_dma2 semaphore(%run_scoped3A : memref<!tpu.dma_semaphore, #tpu.memory_space<semaphore_mem>>) src(%arg9 : memref<128x128xf32, #tpu.memory_space<vmem>>) dst(%dma_wait3A_70 : memref<128x128xf32, #tpu.memory_space<vmem_shared>>)
      tpu.yield
    }) : () -> ()
    "tpu.region"() ({
      %run_scoped3A = tpu.sem_alloc : memref<!tpu.dma_semaphore, #tpu.memory_space<semaphore_mem>>
      %dma_start3A = tpu.memref_slice %arg13[%mul3A_47] : memref<10240xf32, #tpu.memory_space<vmem_shared>> -> memref<640xf32, #tpu.memory_space<vmem_shared>>
      %dma_start3A_65 = tpu.memref_slice %arg13[%mul3A_47] : memref<10240xf32, #tpu.memory_space<vmem_shared>> -> memref<640xf32, #tpu.memory_space<vmem_shared>>
      tpu.enqueue_dma source(%arg10 : memref<640xf32, #tpu.memory_space<vmem>>) target(%dma_start3A_65 : memref<640xf32, #tpu.memory_space<vmem_shared>>) target_semaphore(%run_scoped3A : memref<!tpu.dma_semaphore, #tpu.memory_space<semaphore_mem>>)
      %dma_wait3A = tpu.memref_slice %arg13[%mul3A_47] : memref<10240xf32, #tpu.memory_space<vmem_shared>> -> memref<640xf32, #tpu.memory_space<vmem_shared>>
      %dma_wait3A_66 = tpu.memref_slice %arg13[%mul3A_47] : memref<10240xf32, #tpu.memory_space<vmem_shared>> -> memref<640xf32, #tpu.memory_space<vmem_shared>>
      tpu.wait_dma2 semaphore(%run_scoped3A : memref<!tpu.dma_semaphore, #tpu.memory_space<semaphore_mem>>) src(%arg10 : memref<640xf32, #tpu.memory_space<vmem>>) dst(%dma_wait3A_66 : memref<640xf32, #tpu.memory_space<vmem_shared>>)
      tpu.yield
    }) : () -> ()
    %barrier3A = arith.constant 0 : index
    tpu.barrier barrier_id(%barrier3A)
    "tpu.region"() ({
      %run_scoped3A = tpu.sem_alloc : memref<!tpu.dma_semaphore, #tpu.memory_space<semaphore_mem>>
      %dma_start3A = arith.constant 0 : i32
      %dma_start3A_65 = arith.constant 0 : i32
      %dma_start3A_66 = tpu.memref_slice %arg3[%add3A, %dma_start3A, %dma_start3A_65] : memref<32x80x128xi32, #tpu.memory_space<hbm>> -> memref<1x80x128xi32, #tpu.memory_space<hbm>>
      %dma_start3A_67 = tpu.memref_squeeze %dma_start3A_66 : memref<1x80x128xi32, #tpu.memory_space<hbm>> -> memref<80x128xi32, #tpu.memory_space<hbm>>
      %dma_start3A_68 = arith.constant 0 : i32
      %dma_start3A_69 = arith.constant 0 : i32
      %dma_start3A_70 = tpu.memref_slice %arg3[%add3A, %dma_start3A_68, %dma_start3A_69] : memref<32x80x128xi32, #tpu.memory_space<hbm>> -> memref<1x80x128xi32, #tpu.memory_space<hbm>>
      %dma_start3A_71 = tpu.memref_squeeze %dma_start3A_70 : memref<1x80x128xi32, #tpu.memory_space<hbm>> -> memref<80x128xi32, #tpu.memory_space<hbm>>
      tpu.enqueue_dma source(%dma_start3A_71 : memref<80x128xi32, #tpu.memory_space<hbm>>) target(%arg7 : memref<80x128xi32, #tpu.memory_space<vmem>>) target_semaphore(%run_scoped3A : memref<!tpu.dma_semaphore, #tpu.memory_space<semaphore_mem>>)
      %dma_wait3A = arith.constant 0 : i32
      %dma_wait3A_72 = arith.constant 0 : i32
      %dma_wait3A_73 = tpu.memref_slice %arg3[%add3A, %dma_wait3A, %dma_wait3A_72] : memref<32x80x128xi32, #tpu.memory_space<hbm>> -> memref<1x80x128xi32, #tpu.memory_space<hbm>>
      %dma_wait3A_74 = tpu.memref_squeeze %dma_wait3A_73 : memref<1x80x128xi32, #tpu.memory_space<hbm>> -> memref<80x128xi32, #tpu.memory_space<hbm>>
      %dma_wait3A_75 = arith.constant 0 : i32
      %dma_wait3A_76 = arith.constant 0 : i32
      %dma_wait3A_77 = tpu.memref_slice %arg3[%add3A, %dma_wait3A_75, %dma_wait3A_76] : memref<32x80x128xi32, #tpu.memory_space<hbm>> -> memref<1x80x128xi32, #tpu.memory_space<hbm>>
      %dma_wait3A_78 = tpu.memref_squeeze %dma_wait3A_77 : memref<1x80x128xi32, #tpu.memory_space<hbm>> -> memref<80x128xi32, #tpu.memory_space<hbm>>
      tpu.wait_dma2 semaphore(%run_scoped3A : memref<!tpu.dma_semaphore, #tpu.memory_space<semaphore_mem>>) src(%dma_wait3A_78 : memref<80x128xi32, #tpu.memory_space<hbm>>) dst(%arg7 : memref<80x128xi32, #tpu.memory_space<vmem>>)
      tpu.yield
    }) : () -> ()
    "tpu.region"() ({
      %run_scoped3A = tpu.sem_alloc : memref<!tpu.dma_semaphore, #tpu.memory_space<semaphore_mem>>
      %dma_start3A = arith.constant 0 : i32
      %dma_start3A_65 = arith.constant 0 : i32
      %dma_start3A_66 = tpu.memref_slice %arg4[%add3A, %dma_start3A, %dma_start3A_65] : memref<32x80x128xi32, #tpu.memory_space<hbm>> -> memref<1x80x128xi32, #tpu.memory_space<hbm>>
      %dma_start3A_67 = tpu.memref_squeeze %dma_start3A_66 : memref<1x80x128xi32, #tpu.memory_space<hbm>> -> memref<80x128xi32, #tpu.memory_space<hbm>>
      %dma_start3A_68 = arith.constant 0 : i32
      %dma_start3A_69 = arith.constant 0 : i32
      %dma_start3A_70 = tpu.memref_slice %arg4[%add3A, %dma_start3A_68, %dma_start3A_69] : memref<32x80x128xi32, #tpu.memory_space<hbm>> -> memref<1x80x128xi32, #tpu.memory_space<hbm>>
      %dma_start3A_71 = tpu.memref_squeeze %dma_start3A_70 : memref<1x80x128xi32, #tpu.memory_space<hbm>> -> memref<80x128xi32, #tpu.memory_space<hbm>>
      tpu.enqueue_dma source(%dma_start3A_71 : memref<80x128xi32, #tpu.memory_space<hbm>>) target(%arg8 : memref<80x128xi32, #tpu.memory_space<vmem>>) target_semaphore(%run_scoped3A : memref<!tpu.dma_semaphore, #tpu.memory_space<semaphore_mem>>)
      %dma_wait3A = arith.constant 0 : i32
      %dma_wait3A_72 = arith.constant 0 : i32
      %dma_wait3A_73 = tpu.memref_slice %arg4[%add3A, %dma_wait3A, %dma_wait3A_72] : memref<32x80x128xi32, #tpu.memory_space<hbm>> -> memref<1x80x128xi32, #tpu.memory_space<hbm>>
      %dma_wait3A_74 = tpu.memref_squeeze %dma_wait3A_73 : memref<1x80x128xi32, #tpu.memory_space<hbm>> -> memref<80x128xi32, #tpu.memory_space<hbm>>
      %dma_wait3A_75 = arith.constant 0 : i32
      %dma_wait3A_76 = arith.constant 0 : i32
      %dma_wait3A_77 = tpu.memref_slice %arg4[%add3A, %dma_wait3A_75, %dma_wait3A_76] : memref<32x80x128xi32, #tpu.memory_space<hbm>> -> memref<1x80x128xi32, #tpu.memory_space<hbm>>
      %dma_wait3A_78 = tpu.memref_squeeze %dma_wait3A_77 : memref<1x80x128xi32, #tpu.memory_space<hbm>> -> memref<80x128xi32, #tpu.memory_space<hbm>>
      tpu.wait_dma2 semaphore(%run_scoped3A : memref<!tpu.dma_semaphore, #tpu.memory_space<semaphore_mem>>) src(%dma_wait3A_78 : memref<80x128xi32, #tpu.memory_space<hbm>>) dst(%arg8 : memref<80x128xi32, #tpu.memory_space<vmem>>)
      tpu.yield
    }) : () -> ()
    %scan3A_58 = arith.constant 0 : i32
    %scan3A_59 = arith.constant 0 : i32
    %scan3A_60 = arith.constant 80 : i32
    %scan3A_61 = arith.addi %scan3A_59, %scan3A_60 : i32
    %scan3A_62 = arith.constant 1 : i32
    scf.for %scan3A_65 = %scan3A_59 to %scan3A_61 step %scan3A_62  : i32 {
      %dma_start3A = arith.constant 0 : i32
      %dma_start3A_66 = tpu.memref_slice %arg7[%scan3A_65, %dma_start3A] : memref<80x128xi32, #tpu.memory_space<vmem>> -> memref<1x128xi32, #tpu.memory_space<vmem>>
      %dma_start3A_67 = tpu.memref_squeeze %dma_start3A_66 : memref<1x128xi32, #tpu.memory_space<vmem>> -> memref<128xi32, #tpu.memory_space<vmem>>
      %dma_start3A_68 = arith.constant 0 : i32
      %dma_start3A_69 = arith.constant 0 : i32
      %dma_start3A_70 = tpu.memref_slice %arg2[%dma_start3A_68, %dma_start3A_69] : memref<10000x128xf32, #tpu.memory_space<hbm>> -> memref<10000x128xf32, #tpu.memory_space<hbm>>
      tpu.enqueue_indirect_dma source(%dma_start3A_70 : memref<10000x128xf32, #tpu.memory_space<hbm>>) target(%arg9 : memref<128x128xf32, #tpu.memory_space<vmem>>) offsets(%dma_start3A_67 : memref<128xi32, #tpu.memory_space<vmem>>) semaphore(%arg14 : memref<!tpu.dma_semaphore, #tpu.memory_space<semaphore_mem>>)
      %dma_wait3A = arith.constant 0 : i32
      %dma_wait3A_71 = tpu.memref_slice %arg7[%scan3A_65, %dma_wait3A] : memref<80x128xi32, #tpu.memory_space<vmem>> -> memref<1x128xi32, #tpu.memory_space<vmem>>
      %dma_wait3A_72 = tpu.memref_squeeze %dma_wait3A_71 : memref<1x128xi32, #tpu.memory_space<vmem>> -> memref<128xi32, #tpu.memory_space<vmem>>
      %dma_wait3A_73 = arith.constant 0 : i32
      %dma_wait3A_74 = arith.constant 0 : i32
      %dma_wait3A_75 = tpu.memref_slice %arg2[%dma_wait3A_73, %dma_wait3A_74] : memref<10000x128xf32, #tpu.memory_space<hbm>> -> memref<10000x128xf32, #tpu.memory_space<hbm>>
      tpu.wait_indirect_dma semaphore(%arg14 : memref<!tpu.dma_semaphore, #tpu.memory_space<semaphore_mem>>) src(%dma_wait3A_75 : memref<10000x128xf32, #tpu.memory_space<hbm>>) dst(%arg9 : memref<128x128xf32, #tpu.memory_space<vmem>>)
      "tpu.region"() ({
        %run_scoped3A = tpu.sem_alloc : memref<!tpu.dma_semaphore, #tpu.memory_space<semaphore_mem>>
        %dma_start3A_76 = arith.constant 0 : i32
        %dma_start3A_77 = tpu.memref_slice %arg8[%scan3A_65, %dma_start3A_76] : memref<80x128xi32, #tpu.memory_space<vmem>> -> memref<1x128xi32, #tpu.memory_space<vmem>>
        %dma_start3A_78 = tpu.memref_squeeze %dma_start3A_77 : memref<1x128xi32, #tpu.memory_space<vmem>> -> memref<128xi32, #tpu.memory_space<vmem>>
        %dma_start3A_79 = arith.constant 0 : i32
        %dma_start3A_80 = arith.constant 0 : i32
        %dma_start3A_81 = tpu.memref_slice %arg12[%dma_start3A_79, %dma_start3A_80] : memref<10240x128xf32, #tpu.memory_space<vmem_shared>> -> memref<10240x128xf32, #tpu.memory_space<vmem_shared>>
        tpu.enqueue_indirect_dma source(%arg9 : memref<128x128xf32, #tpu.memory_space<vmem>>) target(%dma_start3A_81 : memref<10240x128xf32, #tpu.memory_space<vmem_shared>>) offsets(%dma_start3A_78 : memref<128xi32, #tpu.memory_space<vmem>>) semaphore(%run_scoped3A : memref<!tpu.dma_semaphore, #tpu.memory_space<semaphore_mem>>) {add = true}
        %dma_wait3A_82 = arith.constant 0 : i32
        %dma_wait3A_83 = tpu.memref_slice %arg8[%scan3A_65, %dma_wait3A_82] : memref<80x128xi32, #tpu.memory_space<vmem>> -> memref<1x128xi32, #tpu.memory_space<vmem>>
        %dma_wait3A_84 = tpu.memref_squeeze %dma_wait3A_83 : memref<1x128xi32, #tpu.memory_space<vmem>> -> memref<128xi32, #tpu.memory_space<vmem>>
        %dma_wait3A_85 = arith.constant 0 : i32
        %dma_wait3A_86 = arith.constant 0 : i32
        %dma_wait3A_87 = tpu.memref_slice %arg12[%dma_wait3A_85, %dma_wait3A_86] : memref<10240x128xf32, #tpu.memory_space<vmem_shared>> -> memref<10240x128xf32, #tpu.memory_space<vmem_shared>>
        tpu.wait_indirect_dma semaphore(%run_scoped3A : memref<!tpu.dma_semaphore, #tpu.memory_space<semaphore_mem>>) src(%arg9 : memref<128x128xf32, #tpu.memory_space<vmem>>) dst(%dma_wait3A_87 : memref<10240x128xf32, #tpu.memory_space<vmem_shared>>)
        tpu.yield
      }) : () -> ()
      "tpu.region"() ({
        %run_scoped3A = tpu.sem_alloc : memref<!tpu.dma_semaphore, #tpu.memory_space<semaphore_mem>>
        %dma_start3A_76 = arith.constant 0 : i32
        %dma_start3A_77 = tpu.memref_slice %arg8[%scan3A_65, %dma_start3A_76] : memref<80x128xi32, #tpu.memory_space<vmem>> -> memref<1x128xi32, #tpu.memory_space<vmem>>
        %dma_start3A_78 = tpu.memref_squeeze %dma_start3A_77 : memref<1x128xi32, #tpu.memory_space<vmem>> -> memref<128xi32, #tpu.memory_space<vmem>>
        %dma_start3A_79 = arith.constant 0 : i32
        %dma_start3A_80 = tpu.memref_slice %arg13[%dma_start3A_79] : memref<10240xf32, #tpu.memory_space<vmem_shared>> -> memref<10240xf32, #tpu.memory_space<vmem_shared>>
        tpu.enqueue_indirect_dma source(%arg11 : memref<128xf32, #tpu.memory_space<vmem>>) target(%dma_start3A_80 : memref<10240xf32, #tpu.memory_space<vmem_shared>>) offsets(%dma_start3A_78 : memref<128xi32, #tpu.memory_space<vmem>>) semaphore(%run_scoped3A : memref<!tpu.dma_semaphore, #tpu.memory_space<semaphore_mem>>) {add = true}
        %dma_wait3A_81 = arith.constant 0 : i32
        %dma_wait3A_82 = tpu.memref_slice %arg8[%scan3A_65, %dma_wait3A_81] : memref<80x128xi32, #tpu.memory_space<vmem>> -> memref<1x128xi32, #tpu.memory_space<vmem>>
        %dma_wait3A_83 = tpu.memref_squeeze %dma_wait3A_82 : memref<1x128xi32, #tpu.memory_space<vmem>> -> memref<128xi32, #tpu.memory_space<vmem>>
        %dma_wait3A_84 = arith.constant 0 : i32
        %dma_wait3A_85 = tpu.memref_slice %arg13[%dma_wait3A_84] : memref<10240xf32, #tpu.memory_space<vmem_shared>> -> memref<10240xf32, #tpu.memory_space<vmem_shared>>
        tpu.wait_indirect_dma semaphore(%run_scoped3A : memref<!tpu.dma_semaphore, #tpu.memory_space<semaphore_mem>>) src(%arg11 : memref<128xf32, #tpu.memory_space<vmem>>) dst(%dma_wait3A_85 : memref<10240xf32, #tpu.memory_space<vmem_shared>>)
        tpu.yield
      }) : () -> ()
    }
    %scan3A_63 = arith.constant 80 : i32
    %barrier3A_64 = arith.constant 0 : index
    tpu.barrier barrier_id(%barrier3A_64)
    "tpu.region"() ({
      %run_scoped3A = tpu.sem_alloc : memref<!tpu.dma_semaphore, #tpu.memory_space<semaphore_mem>>
      %dma_start3A = arith.constant 0 : i32
      %dma_start3A_65 = tpu.memref_slice %arg5[%arg0, %mul3A_47, %dma_start3A] : memref<2x10240x128xf32, #tpu.memory_space<hbm>> -> memref<1x640x128xf32, #tpu.memory_space<hbm>>
      %dma_start3A_66 = tpu.memref_squeeze %dma_start3A_65 : memref<1x640x128xf32, #tpu.memory_space<hbm>> -> memref<640x128xf32, #tpu.memory_space<hbm>>
      %dma_start3A_67 = arith.constant 0 : i32
      %dma_start3A_68 = tpu.memref_slice %arg12[%mul3A_47, %dma_start3A_67] : memref<10240x128xf32, #tpu.memory_space<vmem_shared>> -> memref<640x128xf32, #tpu.memory_space<vmem_shared>>
      tpu.enqueue_dma source(%dma_start3A_68 : memref<640x128xf32, #tpu.memory_space<vmem_shared>>) target(%dma_start3A_66 : memref<640x128xf32, #tpu.memory_space<hbm>>) target_semaphore(%run_scoped3A : memref<!tpu.dma_semaphore, #tpu.memory_space<semaphore_mem>>)
      %dma_wait3A = arith.constant 0 : i32
      %dma_wait3A_69 = tpu.memref_slice %arg5[%arg0, %mul3A_47, %dma_wait3A] : memref<2x10240x128xf32, #tpu.memory_space<hbm>> -> memref<1x640x128xf32, #tpu.memory_space<hbm>>
      %dma_wait3A_70 = tpu.memref_squeeze %dma_wait3A_69 : memref<1x640x128xf32, #tpu.memory_space<hbm>> -> memref<640x128xf32, #tpu.memory_space<hbm>>
      %dma_wait3A_71 = arith.constant 0 : i32
      %dma_wait3A_72 = tpu.memref_slice %arg12[%mul3A_47, %dma_wait3A_71] : memref<10240x128xf32, #tpu.memory_space<vmem_shared>> -> memref<640x128xf32, #tpu.memory_space<vmem_shared>>
      tpu.wait_dma2 semaphore(%run_scoped3A : memref<!tpu.dma_semaphore, #tpu.memory_space<semaphore_mem>>) src(%dma_wait3A_72 : memref<640x128xf32, #tpu.memory_space<vmem_shared>>) dst(%dma_wait3A_70 : memref<640x128xf32, #tpu.memory_space<hbm>>)
      tpu.yield
    }) : () -> ()
    "tpu.region"() ({
      %run_scoped3A = tpu.sem_alloc : memref<!tpu.dma_semaphore, #tpu.memory_space<semaphore_mem>>
      %dma_start3A = tpu.memref_slice %arg6[%arg0, %mul3A_47] : memref<2x10240xf32, #tpu.memory_space<hbm>> -> memref<1x640xf32, #tpu.memory_space<hbm>>
      %dma_start3A_65 = tpu.memref_squeeze %dma_start3A : memref<1x640xf32, #tpu.memory_space<hbm>> -> memref<640xf32, #tpu.memory_space<hbm>>
      %dma_start3A_66 = tpu.memref_slice %arg13[%mul3A_47] : memref<10240xf32, #tpu.memory_space<vmem_shared>> -> memref<640xf32, #tpu.memory_space<vmem_shared>>
      tpu.enqueue_dma source(%dma_start3A_66 : memref<640xf32, #tpu.memory_space<vmem_shared>>) target(%dma_start3A_65 : memref<640xf32, #tpu.memory_space<hbm>>) target_semaphore(%run_scoped3A : memref<!tpu.dma_semaphore, #tpu.memory_space<semaphore_mem>>)
      %dma_wait3A = tpu.memref_slice %arg6[%arg0, %mul3A_47] : memref<2x10240xf32, #tpu.memory_space<hbm>> -> memref<1x640xf32, #tpu.memory_space<hbm>>
      %dma_wait3A_67 = tpu.memref_squeeze %dma_wait3A : memref<1x640xf32, #tpu.memory_space<hbm>> -> memref<640xf32, #tpu.memory_space<hbm>>
      %dma_wait3A_68 = tpu.memref_slice %arg13[%mul3A_47] : memref<10240xf32, #tpu.memory_space<vmem_shared>> -> memref<640xf32, #tpu.memory_space<vmem_shared>>
      tpu.wait_dma2 semaphore(%run_scoped3A : memref<!tpu.dma_semaphore, #tpu.memory_space<semaphore_mem>>) src(%dma_wait3A_68 : memref<640xf32, #tpu.memory_space<vmem_shared>>) dst(%dma_wait3A_67 : memref<640xf32, #tpu.memory_space<hbm>>)
      tpu.yield
    }) : () -> ()
    return
  }
}

module attributes {stable_mosaic.version = 14 : i64} {
  func.func @_tc_pre_body(%arg0: i32, %arg1: memref<400x128xf32, #tpu.memory_space<vmem>>, %arg2: memref<128x128xf32, #tpu.memory_space<vmem>>, %arg3: memref<128x128xf32, #tpu.memory_space<vmem>>, %arg4: memref<1x128xf32, #tpu.memory_space<vmem>>, %arg5: memref<400x128xf32, #tpu.memory_space<vmem>>, %arg6: memref<400x128xf32, #tpu.memory_space<vmem>>) attributes {dimension_semantics = [#tpu.dimension_semantics<arbitrary>], iteration_bounds = array<i64: 25>, scalar_prefetch = 0 : i64, scratch_operands = 0 : i64, tpu.core_type = #tpu.core_type<tc>, window_params = [{transform_indices = @transform_0, window_bounds = array<i64: 400, 128>}, {pipeline_mode = #tpu.pipeline_mode<synchronous>, transform_indices = @transform_1, window_bounds = array<i64: 128, 128>}, {pipeline_mode = #tpu.pipeline_mode<synchronous>, transform_indices = @transform_2, window_bounds = array<i64: 128, 128>}, {pipeline_mode = #tpu.pipeline_mode<synchronous>, transform_indices = @transform_3, window_bounds = array<i64: 1, 128>}, {transform_indices = @transform_4, window_bounds = array<i64: 400, 128>}, {transform_indices = @transform_5, window_bounds = array<i64: 400, 128>}]} {
    %get3A = arith.constant 0 : index
    %get3A_0 = arith.constant 0 : index
    %get3A_1 = vector.load %arg1[%get3A, %get3A_0] : memref<400x128xf32, #tpu.memory_space<vmem>>, vector<400x128xf32>
    %get3A_2 = arith.constant 0 : index
    %get3A_3 = arith.constant 0 : index
    %get3A_4 = vector.load %arg2[%get3A_2, %get3A_3] : memref<128x128xf32, #tpu.memory_space<vmem>>, vector<128x128xf32>
    %dot_general3A = arith.constant dense<0.000000e+00> : vector<400x128xf32>
    %dot_general3A_5 = tpu.matmul %get3A_1, %get3A_4, %dot_general3A {dimension_numbers = #tpu.dot_dimension_numbers<[1], [1], [0], [0], [0, 0, 1, 0], [], []>, transpose_lhs_hint = false} : vector<400x128xf32>, vector<128x128xf32>, vector<400x128xf32> -> vector<400x128xf32>
    %swap3A = arith.constant 0 : index
    %swap3A_6 = arith.constant 0 : index
    %swap3A_7 = vector.load %arg5[%swap3A, %swap3A_6] : memref<400x128xf32, #tpu.memory_space<vmem>>, vector<400x128xf32>
    tpu.vector_store %arg5[%swap3A, %swap3A_6], %dot_general3A_5 {strides = array<i32>} : memref<400x128xf32, #tpu.memory_space<vmem>>, vector<400x128xf32>,
    %get3A_8 = arith.constant 0 : index
    %get3A_9 = arith.constant 0 : index
    %get3A_10 = vector.load %arg3[%get3A_8, %get3A_9] : memref<128x128xf32, #tpu.memory_space<vmem>>, vector<128x128xf32>
    %dot_general3A_11 = arith.constant dense<0.000000e+00> : vector<400x128xf32>
    %dot_general3A_12 = tpu.matmul %get3A_1, %get3A_10, %dot_general3A_11 {dimension_numbers = #tpu.dot_dimension_numbers<[1], [1], [0], [0], [0, 0, 1, 0], [], []>, transpose_lhs_hint = false} : vector<400x128xf32>, vector<128x128xf32>, vector<400x128xf32> -> vector<400x128xf32>
    %get3A_13 = arith.constant 0 : index
    %get3A_14 = arith.constant 0 : index
    %get3A_15 = vector.load %arg4[%get3A_13, %get3A_14] : memref<1x128xf32, #tpu.memory_space<vmem>>, vector<1x128xf32>
    %add3A = vector.broadcast %get3A_15 : vector<1x128xf32> to vector<400x128xf32>
    %add3A_16 = arith.addf %dot_general3A_12, %add3A : vector<400x128xf32>
    %swap3A_17 = arith.constant 0 : index
    %swap3A_18 = arith.constant 0 : index
    %swap3A_19 = vector.load %arg6[%swap3A_17, %swap3A_18] : memref<400x128xf32, #tpu.memory_space<vmem>>, vector<400x128xf32>
    tpu.vector_store %arg6[%swap3A_17, %swap3A_18], %add3A_16 {strides = array<i32>} : memref<400x128xf32, #tpu.memory_space<vmem>>, vector<400x128xf32>,
    return
  }
  func.func @transform_0(%arg0: i32) -> (i32, i32) {
    %c0_i32 = arith.constant 0 : i32
    %c0_i32_0 = arith.constant 0 : i32
    return %arg0, %c0_i32 : i32, i32
  }
  func.func @transform_1(%arg0: i32) -> (i32, i32) {
    %c0_i32 = arith.constant 0 : i32
    %c0_i32_0 = arith.constant 0 : i32
    %c0_i32_1 = arith.constant 0 : i32
    return %c0_i32, %c0_i32_0 : i32, i32
  }
  func.func @transform_2(%arg0: i32) -> (i32, i32) {
    %c0_i32 = arith.constant 0 : i32
    %c0_i32_0 = arith.constant 0 : i32
    %c0_i32_1 = arith.constant 0 : i32
    return %c0_i32, %c0_i32_0 : i32, i32
  }
  func.func @transform_3(%arg0: i32) -> (i32, i32) {
    %c0_i32 = arith.constant 0 : i32
    %c0_i32_0 = arith.constant 0 : i32
    %c0_i32_1 = arith.constant 0 : i32
    return %c0_i32, %c0_i32_0 : i32, i32
  }
  func.func @transform_4(%arg0: i32) -> (i32, i32) {
    %c0_i32 = arith.constant 0 : i32
    %c0_i32_0 = arith.constant 0 : i32
    return %arg0, %c0_i32 : i32, i32
  }
  func.func @transform_5(%arg0: i32) -> (i32, i32) {
    %c0_i32 = arith.constant 0 : i32
    %c0_i32_0 = arith.constant 0 : i32
    return %arg0, %c0_i32 : i32, i32
  }
}

module attributes {stable_mosaic.version = 14 : i64} {
  func.func @_tc_mid_body(%arg0: i32, %arg1: memref<400x128xf32, #tpu.memory_space<vmem>>, %arg2: memref<400x128xf32, #tpu.memory_space<vmem>>, %arg3: memref<400x1xf32, #tpu.memory_space<vmem>>, %arg4: memref<400x1xf32, #tpu.memory_space<vmem>>, %arg5: memref<400x128xf32, #tpu.memory_space<vmem>>, %arg6: memref<128x128xf32, #tpu.memory_space<vmem>>, %arg7: memref<128x128xf32, #tpu.memory_space<vmem>>, %arg8: memref<1x128xf32, #tpu.memory_space<vmem>>, %arg9: memref<400x128xf32, #tpu.memory_space<vmem>>, %arg10: memref<400x128xf32, #tpu.memory_space<vmem>>) attributes {dimension_semantics = [#tpu.dimension_semantics<arbitrary>], iteration_bounds = array<i64: 25>, scalar_prefetch = 0 : i64, scratch_operands = 0 : i64, tpu.core_type = #tpu.core_type<tc>, window_params = [{transform_indices = @transform_0, window_bounds = array<i64: 400, 128>}, {transform_indices = @transform_1, window_bounds = array<i64: 400, 128>}, {transform_indices = @transform_2, window_bounds = array<i64: 400, 1>}, {transform_indices = @transform_3, window_bounds = array<i64: 400, 1>}, {transform_indices = @transform_4, window_bounds = array<i64: 400, 128>}, {pipeline_mode = #tpu.pipeline_mode<synchronous>, transform_indices = @transform_5, window_bounds = array<i64: 128, 128>}, {pipeline_mode = #tpu.pipeline_mode<synchronous>, transform_indices = @transform_6, window_bounds = array<i64: 128, 128>}, {pipeline_mode = #tpu.pipeline_mode<synchronous>, transform_indices = @transform_7, window_bounds = array<i64: 1, 128>}, {transform_indices = @transform_8, window_bounds = array<i64: 400, 128>}, {transform_indices = @transform_9, window_bounds = array<i64: 400, 128>}]} {
    %get3A = arith.constant 0 : index
    %get3A_0 = arith.constant 0 : index
    %get3A_1 = vector.load %arg3[%get3A, %get3A_0] : memref<400x1xf32, #tpu.memory_space<vmem>>, vector<400x1xf32>
    %get3A_2 = arith.constant 0 : index
    %get3A_3 = arith.constant 0 : index
    %get3A_4 = vector.load %arg4[%get3A_2, %get3A_3] : memref<400x1xf32, #tpu.memory_space<vmem>>, vector<400x1xf32>
    %add3A = arith.addf %get3A_1, %get3A_4 : vector<400x1xf32>
    %max3A = arith.constant 1.000000e+00 : f32
    %max3A_5 = vector.broadcast %max3A : f32 to vector<400x1xf32>
    %max3A_6 = arith.maximumf %add3A, %max3A_5 : vector<400x1xf32>
    %get3A_7 = arith.constant 0 : index
    %get3A_8 = arith.constant 0 : index
    %get3A_9 = vector.load %arg1[%get3A_7, %get3A_8] : memref<400x128xf32, #tpu.memory_space<vmem>>, vector<400x128xf32>
    %get3A_10 = arith.constant 0 : index
    %get3A_11 = arith.constant 0 : index
    %get3A_12 = vector.load %arg2[%get3A_10, %get3A_11] : memref<400x128xf32, #tpu.memory_space<vmem>>, vector<400x128xf32>
    %add3A_13 = arith.addf %get3A_9, %get3A_12 : vector<400x128xf32>
    %div3A = vector.broadcast %max3A_6 : vector<400x1xf32> to vector<400x128xf32>
    %div3A_14 = arith.divf %add3A_13, %div3A : vector<400x128xf32>
    %get3A_15 = arith.constant 0 : index
    %get3A_16 = arith.constant 0 : index
    %get3A_17 = vector.load %arg5[%get3A_15, %get3A_16] : memref<400x128xf32, #tpu.memory_space<vmem>>, vector<400x128xf32>
    %add3A_18 = arith.addf %div3A_14, %get3A_17 : vector<400x128xf32>
    %max3A_19 = arith.constant 0.000000e+00 : f32
    %max3A_20 = vector.broadcast %max3A_19 : f32 to vector<400x128xf32>
    %max3A_21 = arith.maximumf %add3A_18, %max3A_20 : vector<400x128xf32>
    %get3A_22 = arith.constant 0 : index
    %get3A_23 = arith.constant 0 : index
    %get3A_24 = vector.load %arg6[%get3A_22, %get3A_23] : memref<128x128xf32, #tpu.memory_space<vmem>>, vector<128x128xf32>
    %dot_general3A = arith.constant dense<0.000000e+00> : vector<400x128xf32>
    %dot_general3A_25 = tpu.matmul %max3A_21, %get3A_24, %dot_general3A {dimension_numbers = #tpu.dot_dimension_numbers<[1], [1], [0], [0], [0, 0, 1, 0], [], []>, transpose_lhs_hint = false} : vector<400x128xf32>, vector<128x128xf32>, vector<400x128xf32> -> vector<400x128xf32>
    %swap3A = arith.constant 0 : index
    %swap3A_26 = arith.constant 0 : index
    %swap3A_27 = vector.load %arg9[%swap3A, %swap3A_26] : memref<400x128xf32, #tpu.memory_space<vmem>>, vector<400x128xf32>
    tpu.vector_store %arg9[%swap3A, %swap3A_26], %dot_general3A_25 {strides = array<i32>} : memref<400x128xf32, #tpu.memory_space<vmem>>, vector<400x128xf32>,
    %get3A_28 = arith.constant 0 : index
    %get3A_29 = arith.constant 0 : index
    %get3A_30 = vector.load %arg7[%get3A_28, %get3A_29] : memref<128x128xf32, #tpu.memory_space<vmem>>, vector<128x128xf32>
    %dot_general3A_31 = arith.constant dense<0.000000e+00> : vector<400x128xf32>
    %dot_general3A_32 = tpu.matmul %max3A_21, %get3A_30, %dot_general3A_31 {dimension_numbers = #tpu.dot_dimension_numbers<[1], [1], [0], [0], [0, 0, 1, 0], [], []>, transpose_lhs_hint = false} : vector<400x128xf32>, vector<128x128xf32>, vector<400x128xf32> -> vector<400x128xf32>
    %get3A_33 = arith.constant 0 : index
    %get3A_34 = arith.constant 0 : index
    %get3A_35 = vector.load %arg8[%get3A_33, %get3A_34] : memref<1x128xf32, #tpu.memory_space<vmem>>, vector<1x128xf32>
    %add3A_36 = vector.broadcast %get3A_35 : vector<1x128xf32> to vector<400x128xf32>
    %add3A_37 = arith.addf %dot_general3A_32, %add3A_36 : vector<400x128xf32>
    %swap3A_38 = arith.constant 0 : index
    %swap3A_39 = arith.constant 0 : index
    %swap3A_40 = vector.load %arg10[%swap3A_38, %swap3A_39] : memref<400x128xf32, #tpu.memory_space<vmem>>, vector<400x128xf32>
    tpu.vector_store %arg10[%swap3A_38, %swap3A_39], %add3A_37 {strides = array<i32>} : memref<400x128xf32, #tpu.memory_space<vmem>>, vector<400x128xf32>,
    return
  }
  func.func @transform_0(%arg0: i32) -> (i32, i32) {
    %c0_i32 = arith.constant 0 : i32
    %c0_i32_0 = arith.constant 0 : i32
    return %arg0, %c0_i32 : i32, i32
  }
  func.func @transform_1(%arg0: i32) -> (i32, i32) {
    %c0_i32 = arith.constant 0 : i32
    %c0_i32_0 = arith.constant 0 : i32
    return %arg0, %c0_i32 : i32, i32
  }
  func.func @transform_2(%arg0: i32) -> (i32, i32) {
    %c0_i32 = arith.constant 0 : i32
    %c0_i32_0 = arith.constant 0 : i32
    return %arg0, %c0_i32 : i32, i32
  }
  func.func @transform_3(%arg0: i32) -> (i32, i32) {
    %c0_i32 = arith.constant 0 : i32
    %c0_i32_0 = arith.constant 0 : i32
    return %arg0, %c0_i32 : i32, i32
  }
  func.func @transform_4(%arg0: i32) -> (i32, i32) {
    %c0_i32 = arith.constant 0 : i32
    %c0_i32_0 = arith.constant 0 : i32
    return %arg0, %c0_i32 : i32, i32
  }
  func.func @transform_5(%arg0: i32) -> (i32, i32) {
    %c0_i32 = arith.constant 0 : i32
    %c0_i32_0 = arith.constant 0 : i32
    %c0_i32_1 = arith.constant 0 : i32
    return %c0_i32, %c0_i32_0 : i32, i32
  }
  func.func @transform_6(%arg0: i32) -> (i32, i32) {
    %c0_i32 = arith.constant 0 : i32
    %c0_i32_0 = arith.constant 0 : i32
    %c0_i32_1 = arith.constant 0 : i32
    return %c0_i32, %c0_i32_0 : i32, i32
  }
  func.func @transform_7(%arg0: i32) -> (i32, i32) {
    %c0_i32 = arith.constant 0 : i32
    %c0_i32_0 = arith.constant 0 : i32
    %c0_i32_1 = arith.constant 0 : i32
    return %c0_i32, %c0_i32_0 : i32, i32
  }
  func.func @transform_8(%arg0: i32) -> (i32, i32) {
    %c0_i32 = arith.constant 0 : i32
    %c0_i32_0 = arith.constant 0 : i32
    return %arg0, %c0_i32 : i32, i32
  }
  func.func @transform_9(%arg0: i32) -> (i32, i32) {
    %c0_i32 = arith.constant 0 : i32
    %c0_i32_0 = arith.constant 0 : i32
    return %arg0, %c0_i32 : i32, i32
  }
}

module attributes {stable_mosaic.version = 14 : i64} {
  func.func @_tc_fin_body(%arg0: i32, %arg1: memref<400x128xf32, #tpu.memory_space<vmem>>, %arg2: memref<400x128xf32, #tpu.memory_space<vmem>>, %arg3: memref<400x1xf32, #tpu.memory_space<vmem>>, %arg4: memref<400x1xf32, #tpu.memory_space<vmem>>, %arg5: memref<400x128xf32, #tpu.memory_space<vmem>>, %arg6: memref<400x128xf32, #tpu.memory_space<vmem>>) attributes {dimension_semantics = [#tpu.dimension_semantics<arbitrary>], iteration_bounds = array<i64: 25>, scalar_prefetch = 0 : i64, scratch_operands = 0 : i64, tpu.core_type = #tpu.core_type<tc>, window_params = [{transform_indices = @transform_0, window_bounds = array<i64: 400, 128>}, {transform_indices = @transform_1, window_bounds = array<i64: 400, 128>}, {transform_indices = @transform_2, window_bounds = array<i64: 400, 1>}, {transform_indices = @transform_3, window_bounds = array<i64: 400, 1>}, {transform_indices = @transform_4, window_bounds = array<i64: 400, 128>}, {transform_indices = @transform_5, window_bounds = array<i64: 400, 128>}]} {
    %get3A = arith.constant 0 : index
    %get3A_0 = arith.constant 0 : index
    %get3A_1 = vector.load %arg3[%get3A, %get3A_0] : memref<400x1xf32, #tpu.memory_space<vmem>>, vector<400x1xf32>
    %get3A_2 = arith.constant 0 : index
    %get3A_3 = arith.constant 0 : index
    %get3A_4 = vector.load %arg4[%get3A_2, %get3A_3] : memref<400x1xf32, #tpu.memory_space<vmem>>, vector<400x1xf32>
    %add3A = arith.addf %get3A_1, %get3A_4 : vector<400x1xf32>
    %max3A = arith.constant 1.000000e+00 : f32
    %max3A_5 = vector.broadcast %max3A : f32 to vector<400x1xf32>
    %max3A_6 = arith.maximumf %add3A, %max3A_5 : vector<400x1xf32>
    %get3A_7 = arith.constant 0 : index
    %get3A_8 = arith.constant 0 : index
    %get3A_9 = vector.load %arg1[%get3A_7, %get3A_8] : memref<400x128xf32, #tpu.memory_space<vmem>>, vector<400x128xf32>
    %get3A_10 = arith.constant 0 : index
    %get3A_11 = arith.constant 0 : index
    %get3A_12 = vector.load %arg2[%get3A_10, %get3A_11] : memref<400x128xf32, #tpu.memory_space<vmem>>, vector<400x128xf32>
    %add3A_13 = arith.addf %get3A_9, %get3A_12 : vector<400x128xf32>
    %div3A = vector.broadcast %max3A_6 : vector<400x1xf32> to vector<400x128xf32>
    %div3A_14 = arith.divf %add3A_13, %div3A : vector<400x128xf32>
    %get3A_15 = arith.constant 0 : index
    %get3A_16 = arith.constant 0 : index
    %get3A_17 = vector.load %arg5[%get3A_15, %get3A_16] : memref<400x128xf32, #tpu.memory_space<vmem>>, vector<400x128xf32>
    %add3A_18 = arith.addf %div3A_14, %get3A_17 : vector<400x128xf32>
    %swap3A = arith.constant 0 : index
    %swap3A_19 = arith.constant 0 : index
    %swap3A_20 = vector.load %arg6[%swap3A, %swap3A_19] : memref<400x128xf32, #tpu.memory_space<vmem>>, vector<400x128xf32>
    tpu.vector_store %arg6[%swap3A, %swap3A_19], %add3A_18 {strides = array<i32>} : memref<400x128xf32, #tpu.memory_space<vmem>>, vector<400x128xf32>,
    return
  }
  func.func @transform_0(%arg0: i32) -> (i32, i32) {
    %c0_i32 = arith.constant 0 : i32
    %c0_i32_0 = arith.constant 0 : i32
    return %arg0, %c0_i32 : i32, i32
  }
  func.func @transform_1(%arg0: i32) -> (i32, i32) {
    %c0_i32 = arith.constant 0 : i32
    %c0_i32_0 = arith.constant 0 : i32
    return %arg0, %c0_i32 : i32, i32
  }
  func.func @transform_2(%arg0: i32) -> (i32, i32) {
    %c0_i32 = arith.constant 0 : i32
    %c0_i32_0 = arith.constant 0 : i32
    return %arg0, %c0_i32 : i32, i32
  }
  func.func @transform_3(%arg0: i32) -> (i32, i32) {
    %c0_i32 = arith.constant 0 : i32
    %c0_i32_0 = arith.constant 0 : i32
    return %arg0, %c0_i32 : i32, i32
  }
  func.func @transform_4(%arg0: i32) -> (i32, i32) {
    %c0_i32 = arith.constant 0 : i32
    %c0_i32_0 = arith.constant 0 : i32
    return %arg0, %c0_i32 : i32, i32
  }
  func.func @transform_5(%arg0: i32) -> (i32, i32) {
    %c0_i32 = arith.constant 0 : i32
    %c0_i32_0 = arith.constant 0 : i32
    return %arg0, %c0_i32 : i32, i32
  }
}

</mosaic_0001>

<sc_bundles>
// kernel: kernel.10.cloned.1.call-start
scs
__scs_entry_jumppad:
0x0: {  	(pc) =	sbr.rel $0x88, $3  }
0x1: {  	(tag) =	ssettag $0x0;
	lr =	simm.s32 $0x1  }
0x2: {  	[smem:$0x3F99] =	sst lr;
	_ =	strace $0xD0000000  }
0x3: {  	_ = 	snop  }
0x4: {  	_ = 	snop  }
0x5: {  	_ = 	snop  }
0x6: {  	_ = 	snop  }
0x7: {  	_ = 	snop  }
__scs_overlays_trampoline_lowered:
0x8: {  	[smem:$0x3FA8] =	sst s0  }
0x9: {  	[smem:$0x3FA9] =	sst s1  }
0xa: {  	[smem:$0x3FAA] =	sst s2  }
0xb: {  	[smem:$0x3FAB] =	sst s3  }
0xc: {  	[smem:$0x3FAC] =	sst s4  }
0xd: {  	[smem:$0x3FAD] =	sst s5  }
0xe: {  	[smem:$0x3FAE] =	sst s6  }
0xf: {  	[smem:$0x3FAF] =	sst s7  }
0x10: {  	[smem:$0x3FB0] =	sst s8  }
0x11: {  	[smem:$0x3FB1] =	sst s9;
	s0 =	simm.s32 @!p0 $0x0  }
0x12: {  	s1 =	sld [smem:$0x3F97];
	s0 =	simm.s32 @p0 $0x1  }
0x13: {  	[smem:$0x3FB2] =	sst s0;
	s0 =	simm.s32 @!p1 $0x0  }
0x14: {  	s2 =	sld [smem:$0x3F96];
	s0 =	simm.s32 @p1 $0x1  }
0x15: {  	[smem:$0x3FB3] =	sst s0;
	s0 =	simm.s32 @!p2 $0x0  }
0x16: {  	s3 =	sld [smem:$0x3FDB];
	s0 =	simm.s32 @p2 $0x1  }
0x17: {  	s4 =	simm.s32 $0x1BF5;
	[smem:$0x3FB5] =	sst s0  }
0x18: {  	s0 =	sld [smem:$0x3F98];
	_ =	swait.ge [sflag:s4], $0x0  }
0x19: {  	s7 =	sld [smem:$0x3F99]  }
0x1a: {  	s8 =	sadd.s32 $0xFFFFE003, lr  }
0x1b: {  	s9 =	sadd.s32 $0xFFFFFEF7, lr;
	s5 =	simm.s32 $0xFFFFFFFF;
	p2 =	slt.u32 s8, $0xFFFFF086  }
0x1c: {  	p1 =	slt.u32 s9, $0xF7A;
	s5 =	simm.s32 @!p2 $0x0  }
0x1d: {  	s5 =	simm.s32 @p1 $0x1;
	p0 =	seq.s32 s7, s2  }
0x1e: {  	s7 =	smul.u32 @!p0 $0xF7A, s2;
	p2 =	seq.s32 @!p0 s5, $0x0  }
0x1f: {  	s9 =	smul.u32 $0xF7A, s1;
	s8 =	simm.s32 @!p0 $0x1BF5;
	p2 =	por !p2, p0  }
0x20: {  	[sflag:s8] =	ssyncset.s32 @!p0 $0xFFFFF086;
	s6 =	sadd.s32 @!p0 s3, s7;
	s7 =	simm.s32 @!p0 $0x108  }
0x21: {  	s3 =	sadd.s32 s3, s9;
	s6 =	sadd.s32 @!p0 $0x88, s6;
	s7 =	simm.s32 @p2 $0x1082  }
0x22: {  	[simem:s7], [sflag:s8] =	dma.local @!p0 [hbm:s6], $0xF7A  }
0x23: {  	s9 =	sor.u32 $0xD0000000, s2;
	s6 =	simm.s32 $0x108;
	_ =	swait.ge @!p0 [sflag:s8], $0x0  }
0x24: {  	s3 =	sadd.s32 $0x88, s3;
	s6 =	simm.s32 @!p1 $0x1082;
	[sflag:s4] =	ssyncset.s32 $0xFFFFF086  }
0x25: {  	[simem:s6], [sflag:s4] =	dma.local [hbm:s3], $0xF7A  }
0x26: {  	[smem:$0x3F99] =	sst s1;
	(tag) =	ssettag s2;
	_ =	strace s9  }
0x27: {  	s1 =	sld [smem:$0x3FA9]  }
0x28: {  	s2 =	sld [smem:$0x3FAA]  }
0x29: {  	s4 =	sld [smem:$0x3FAC]  }
0x2a: {  	p0 =	seq.s32 s5, $0x0;
	s5 =	sld [smem:$0x3FAD]  }
0x2b: {  	s6 =	sld [smem:$0x3FAE]  }
0x2c: {  	s7 =	sld [smem:$0x3FAF]  }
0x2d: {  	s3 =	simm.s32 $0x108;
	s8 =	sld [smem:$0x3FB0]  }
0x2e: {  	s3 =	simm.s32 @!p0 $0x1082;
	s9 =	sld [smem:$0x3FB1]  }
0x2f: {  	lr =	sadd.s32 s0, s3;
	s0 =	sld [smem:$0x3FA8]  }
0x30: {  	s3 =	sld [smem:$0x3FAB]  }
0x31: {  	[smem:$0x3FB4] =	sst s10  }
0x32: {  	s10 =	sld [smem:$0x3FB2];
	_ =	sdelay $0x3  }
0x33: {  	p0 =	seq.s32 s10, $0x1;
	s10 =	sld [smem:$0x3FB4];
	_ =	sdelay $0x3  }
0x34: {  	[smem:$0x3FB4] =	sst s10  }
0x35: {  	s10 =	sld [smem:$0x3FB3];
	_ =	sdelay $0x3  }
0x36: {  	p1 =	seq.s32 s10, $0x1;
	s10 =	sld [smem:$0x3FB4];
	_ =	sdelay $0x3  }
0x37: {  	[smem:$0x3FB4] =	sst s10  }
0x38: {  	s10 =	sld [smem:$0x3FB5]  }
0x39: {  	_ = 	snop;
	(pc) =	sbr.ind lr, $3  }
0x3a: {  	_ = 	snop  }
0x3b: {  	_ = 	snop  }
0x3c: {  	p2 =	seq.s32 s10, $0x1;
	s10 =	sld [smem:$0x3FB4]  }
0x3d: {  	_ =	shalt  }
0x3e: {  	_ =	shalt  }
0x3f: {  	_ =	shalt  }
0x40: {  	_ =	shalt  }
0x41: {  	_ =	shalt  }
0x42: {  	_ =	shalt  }
0x43: {  	_ =	shalt  }
0x44: {  	_ =	shalt  }
0x45: {  	_ =	shalt  }
0x46: {  	_ =	shalt  }
0x47: {  	_ =	shalt  }
0x48: {  	_ =	shalt  }
0x49: {  	_ =	shalt  }
0x4a: {  	_ =	shalt  }
0x4b: {  	_ =	shalt  }
0x4c: {  	_ =	shalt  }
0x4d: {  	_ =	shalt  }
0x4e: {  	_ =	shalt  }
0x4f: {  	_ =	shalt  }
0x50: {  	_ =	shalt  }
0x51: {  	_ =	shalt  }
0x52: {  	_ =	shalt  }
0x53: {  	_ =	shalt  }
0x54: {  	_ =	shalt  }
0x55: {  	_ =	shalt  }
0x56: {  	_ =	shalt  }
0x57: {  	_ =	shalt  }
0x58: {  	_ =	shalt  }
0x59: {  	_ =	shalt  }
0x5a: {  	_ =	shalt  }
0x5b: {  	_ =	shalt  }
0x5c: {  	_ =	shalt  }
0x5d: {  	_ =	shalt  }
0x5e: {  	_ =	shalt  }
0x5f: {  	_ =	shalt  }
0x60: {  	_ =	shalt  }
0x61: {  	_ =	shalt  }
0x62: {  	_ =	shalt  }
0x63: {  	_ =	shalt  }
0x64: {  	_ =	shalt  }
0x65: {  	_ =	shalt  }
0x66: {  	_ =	shalt  }
0x67: {  	_ =	shalt  }
0x68: {  	_ =	shalt  }
0x69: {  	_ =	shalt  }
0x6a: {  	_ =	shalt  }
0x6b: {  	_ =	shalt  }
0x6c: {  	_ =	shalt  }
0x6d: {  	_ =	shalt  }
0x6e: {  	_ =	shalt  }
0x6f: {  	_ =	shalt  }
0x70: {  	_ =	shalt  }
0x71: {  	_ =	shalt  }
0x72: {  	_ =	shalt  }
0x73: {  	_ =	shalt  }
0x74: {  	_ =	shalt  }
0x75: {  	_ =	shalt  }
0x76: {  	_ =	shalt  }
0x77: {  	_ =	shalt  }
0x78: {  	_ =	shalt  }
0x79: {  	_ =	shalt  }
0x7a: {  	_ =	shalt  }
0x7b: {  	_ =	shalt  }
0x7c: {  	_ =	shalt  }
0x7d: {  	_ =	shalt  }
0x7e: {  	_ =	shalt  }
0x7f: {  	_ =	shalt  }
0x80: {  	_ =	shalt  }
0x81: {  	_ =	shalt  }
0x82: {  	_ =	shalt  }
0x83: {  	_ =	shalt  }
0x84: {  	_ =	shalt  }
0x85: {  	_ =	shalt  }
0x86: {  	_ =	shalt  }
0x87: {  	_ =	shalt  }
.Lfunc_end0:
.L_simem_size_0:
called_computation.1_lowered:
.L_overlay_start_0:
0x88: {  	s2 =	sld [smem:$0x3FD9]  }
0x89: {  	s3 =	sld [smem:$0x3FFE];
	_ =	sdelay $0x1  }
0x8a: {  	s1 =	srdreg.scid  }
0x8b: {  	s0 =	sand.u32 $0x1, s1  }
0x8c: {  	s17 =	sshll.u32 s0, $0xA;
	s2 =	sadd.s32 s3, s2  }
0x8d: {  	s2 =	sadd.s32 s2, s17  }
0x8e: {  	[smem:$0x3FC0] =	sst s2  }
0x8f: {  	_ = 	snop  }
0x90: {  	s2 =	sld [smem:$0x3FD0];
	(tm) =	ssettm $0x1  }
0x91: {  	s18 =	sld [smem:$0x3FFB];
	_ =	sdelay $0x3  }
0x92: {  	_ =	strace s18  }
0x93: {  	s3 =	sld [smem:$0x3FFC];
	_ =	sdelay $0x3  }
0x94: {  	_ =	strace s3  }
0x95: {  	s3 =	sld [smem:$0x3FFD];
	_ =	sdelay $0x3  }
0x96: {  	_ =	strace s3  }
0x97: {  	_ =	strace $0x8FFFFFFF  }
0x98: {  	s19 =	sld [smem:$0x3FDB];
	_ =	sdelay $0x1  }
0x99: {  	s4 =	simm.s32 $_scs_section_size  }
0x9a: {  	s5 =	simm.s32 $_size__tile_overlayer_lowered;
	s6 =	simm.s32 $_tile_overlayer_lowered  }
0x9b: {  	s22 =	simm.s32 $0x1BFF;
	s21 =	sshll.u32 s6, $0x1;
	s3 =	sadd.s32 s4, s19  }
0x9c: {  	s7 =	simm.s32 $0x0;
	s20 =	sshll.u32 s5, $0x1;
	s5 =	sadd.s32 s21, s3  }
0x9d: {  	[timem:s7], [sflag:s22] =	dma.local [hbm:s5], s20  }
0x9e: {  	_ =	swait.ge [sflag:s22], s20  }
0x9f: {  	s4 =	ssub.s32 $0x0, s20;
	[sflag:s22] =	ssyncset.done $0x0  }
0xa0: {  	[sflag:s22] =	ssyncadd.s32 s4;
	_ =	sdelay $0x1  }
0xa1: {  	s23 =	simm.s32 $0x1B8B  }
0xa2: {  	_ =	swait.ge [sflag:s23], $0x1  }
0xa3: {  	[sflag:s23] =	ssyncset.done $0x0  }
0xa4: {  	s25 =	simm.s32 $0x1B8E;
	s24 =	sld [smem:$0x3FFE];
	[sflag:s23] =	ssyncadd.s32 $0xFFFFFFFF  }
0xa5: {  	s26 =	simm.s32 $execute0_lowered;
	[smem:$0x3FD2] =	sst s25  }
0xa6: {  	s5 =	sshll.u32 s26, $0x1;
	_ =	strace $0x80000049;
	[dreg:$0x1] =	wrdreg $0xFFFFFFFF  }
0xa7: {  	s28 =	simm.s32 $_size_execute0_lowered;
	s3 =	sadd.s32 s3, s5;
	[dreg:$0x0] =	wrdreg $0x0  }
0xa8: {  	s5 =	sshll.u32 s28, $0x1;
	[dreg:$0x2] =	wrdreg s3  }
0xa9: {  	[dreg:$0x3] =	wrdreg s5  }
0xaa: {  	[dreg:$0x4] =	wrdreg $0xC0  }
0xab: {  	_ =	task [dreg:s7], $0x5FFFF  }
0xac: {  	[dreg:$0x1] =	wrdreg $0xFFFFFFFF  }
0xad: {  	[dreg:$0x0] =	wrdreg $0x60  }
0xae: {  	[dreg:$0x2] =	wrdreg s2  }
0xaf: {  	[dreg:$0x3] =	wrdreg s24  }
0xb0: {  	[dreg:$0x4] =	wrdreg $0x93000  }
0xb1: {  	[dreg:$0x5] =	wrdreg $0x1D3000  }
0xb2: {  	[dreg:$0x6] =	wrdreg $0x9  }
0xb3: {  	_ =	task.clear_ibuf [dreg:s7], $0x7FFFF;
	_ =	strace $0x90000049  }
0xb4: {  	s29 =	simm.s32 $0x9;
	_ =	strace $0x8000004B  }
0xb5: {  	_ =	swait.ge [sflag:s29], $0x1  }
0xb6: {  	[sflag:s29] =	ssyncadd.s32 $0xFFFFFFFF  }
0xb7: {  	_ =	strace $0x9000004B  }
0xb8: {  	_ =	sfence  }
0xb9: {  	s30 =	sld [smem:$0x0];
	_ =	sdelay $0x2  }
0xba: {  	s31 =	sshll.u32 s1, $0xD;
	s1 =	sshrl.u32 s1, $0x2  }
0xbb: {  	s3 =	sand.u32 $0x4000, s31;
	s1 =	sadd.s32 s1, s30  }
0xbc: {  	s0 =	sor.u32 s3, s0;
	s1 =	sshll.u32 s1, $0x11  }
0xbd: {  	s0 =	sor.u32 s1, s0  }
0xbe: {  	s0 =	sadd.s32 $0x8F2B, s0  }
0xbf: {  	[sflag:s0] =	ssyncadd.remote.s32 $0x1  }
0xc0: {  	_ =	sfence.sel $0xFFFF  }
0xc1: {  	[dreg:$0x0] =	wrdreg $0xFFFFFFFF;
	(pc) =	sbr.abs _section_cstart, $3  }
0xc2: {  	[dreg:$0x1] =	wrdreg $0xFFFFFFFF  }
0xc3: {  	_ =	task.clear_ibuf [dreg:s7], $0x2FFFF;
	_ =	strace $0x9FFFFFFF  }
0xc4: {  	(tm) =	ssettm $0x7FFFFFFF  }
0xc5: {  	_ =	shalt  }
tec
execute0_lowered:
.L_overlay_start_1:
0x0: {  	(tag) =	ssettag $0x1  }
0x1: {  	s1 =	rddreg [dreg:$0x0]  }
0x2: {  	s6 =	rddreg [dreg:$0x1]  }
0x3: {  	s2 =	rddreg [dreg:$0x2]  }
0x4: {  	s3 =	rddreg [dreg:$0x3]  }
0x5: {  	s4 =	srdreg.scid;
	s0 =	rddreg [dreg:$0x4];
	s5 =	simm.s32 $0x0  }
0x6: {  	s17 =	simm.s32 $0x5000;
	s18 =	simm.s32 $0x2;
	s19 =	simm.s32 $0x9000  }
0x7: {  	s20 =	simm.s32 $0x2800;
	s21 =	simm.s32 $0x80;
	s7 =	sand.u32 $0x1, s4  }
0x8: {  	s22 =	simm.s32 $0x1;
	s4 =	stileid.u32;
	s8 =	smul.u32 $0x140000, s7  }
0x9: {  	s23 =	simm.s32 $0x9280;
	s24 =	simm.s32 $0x20;
	s10 =	smul.u32 $0x14000, s4  }
0xa: {  	[smem:$0x7FF] =	sst s5;
	s9 =	sshll.u32 s7, $0x4;
	s11 =	smul.u32 $0x500, s4  }
0xb: {  	_ =	strace $0x8000004A;
	s25 =	sshll.u32 s7, $0x7;
	s26 =	smul.u32 $0x50000, s4  }
0xc: {  	s7 =	ssub.s32 $0x2, s7;
	s31 =	smul.u32 $0xA00, s4;
	s9 =	sor.u32 s4, s9  }
0xd: {  	s30 =	sshrl.u32 s7, $0x1;
	s9 =	smul.u32 $0x500, s9;
	s8 =	sadd.s32 s10, s8  }
0xe: {  	s10 =	sor.u32 s25, s11;
	s29 =	sshrl.u32 s26, $0x2;
	s16 =	ssub.s32 s7, s30  }
0xf: {  	s11 =	sshrl.u32 s31, $0x2;
	s25 =	simm.s32 $0x10;
	s8 =	sshrl.u32 s8, $0x3  }
0x10: {  	s28 =	sshrl.u32 s10, $0x3;
	s11 =	sadd.s32 s11, s3;
	s13 =	sadd.s32 s9, s6  }
0x11: {  	s14 =	sadd.s32 s8, s6;
	s15 =	sadd.s32 s28, s6;
	s6 =	sadd.s32 s29, s2  }
0x12: {  	s16 =	smax.u32 s16, $0x1;
	s7 =	sadd.s32 $0x4000, s6;
	s8 =	sadd.s32 $0x8000, s6  }
0x13: {  	s9 =	sadd.s32 $0xC000, s6;
	s10 =	sadd.s32 $0x10000, s6;
	s12 =	sadd.s32 $0xCE00, s13  }
0x14: {  	v0 =	vimm.f32 $0.0e+00;
	v1 =	vimm.f32 $1.000000000e+00;
	s13 =	sadd.s32 $0x2E00, s13;
	s14 =	sadd.s32 $0x3E000, s14;
	s15 =	sadd.s32 $0x8E000, s15  }
.LBB2_1:
0x15: {  	s26 =	simm.s32 $0x0;
	s28 =	simm.s32 $0x200  }
.LBB2_2:
0x16: {  	p0 =	sne.s32 s28, $0xFE00;
	[tilespmem:s26+$0x5070] =	vst v0  }
0x17: {  	[tilespmem:s26+$0x5000] =	vst v0  }
0x18: {  	[tilespmem:s26+$0x5010] =	vst v0  }
.Ltmp0:
0x19: {  	[tilespmem:s26+$0x5020] =	vst v0;
	(pc) =	sbr.rel @p0 .LBB2_2-.Ltmp0, $4  }
0x1a: {  	[tilespmem:s26+$0x5030] =	vst v0  }
0x1b: {  	[tilespmem:s26+$0x5040] =	vst v0  }
0x1c: {  	[tilespmem:s26+$0x5050] =	vst v0  }
0x1d: {  	[tilespmem:s26+$0x5060] =	vst v0;
	s26 =	sshra.s32 s28, $0x2;
	s28 =	sadd.s32 $0x200, s28  }
0x1e: {  	[tilespmem:s26+$0x5070] =	vst v0  }
0x1f: {  	[tilespmem:s26+$0x5000] =	vst v0  }
0x20: {  	[tilespmem:s26+$0x5010] =	vst v0  }
0x21: {  	[tilespmem:s26+$0x5020] =	vst v0  }
0x22: {  	[tilespmem:s26+$0x5030] =	vst v0  }
0x23: {  	[tilespmem:s26+$0x5040] =	vst v0  }
0x24: {  	[tilespmem:s26+$0x5050] =	vst v0  }
0x25: {  	[tilespmem:s26+$0x5060] =	vst v0  }
0x26: {  	[tilespmem:$0x9000] =	vst v0  }
0x27: {  	[tilespmem:$0x9010] =	vst v0  }
0x28: {  	[tilespmem:$0x9020] =	vst v0  }
0x29: {  	[tilespmem:$0x9030] =	vst v0  }
0x2a: {  	[tilespmem:$0x9040] =	vst v0  }
0x2b: {  	[tilespmem:$0x9050] =	vst v0  }
0x2c: {  	[tilespmem:$0x9060] =	vst v0  }
0x2d: {  	[tilespmem:$0x9070] =	vst v0  }
0x2e: {  	[tilespmem:$0x9080] =	vst v0  }
0x2f: {  	[tilespmem:$0x9090] =	vst v0  }
0x30: {  	[tilespmem:$0x90A0] =	vst v0  }
0x31: {  	[tilespmem:$0x90B0] =	vst v0  }
0x32: {  	[tilespmem:$0x90C0] =	vst v0  }
0x33: {  	[tilespmem:$0x90D0] =	vst v0  }
0x34: {  	[tilespmem:$0x90E0] =	vst v0  }
0x35: {  	[tilespmem:$0x90F0] =	vst v0  }
0x36: {  	[tilespmem:$0x9100] =	vst v0  }
0x37: {  	[tilespmem:$0x9110] =	vst v0  }
0x38: {  	[tilespmem:$0x9120] =	vst v0  }
0x39: {  	[tilespmem:$0x9130] =	vst v0  }
0x3a: {  	[tilespmem:$0x9140] =	vst v0  }
0x3b: {  	[tilespmem:$0x9150] =	vst v0  }
0x3c: {  	[tilespmem:$0x9160] =	vst v0  }
0x3d: {  	[tilespmem:$0x9170] =	vst v0  }
0x3e: {  	[tilespmem:$0x9180] =	vst v0  }
0x3f: {  	[tilespmem:$0x9190] =	vst v0  }
0x40: {  	[tilespmem:$0x91A0] =	vst v0  }
0x41: {  	[tilespmem:$0x91B0] =	vst v0  }
0x42: {  	[tilespmem:$0x91C0] =	vst v0  }
0x43: {  	[tilespmem:$0x91D0] =	vst v0  }
0x44: {  	[tilespmem:$0x91E0] =	vst v0  }
0x45: {  	[tilespmem:$0x91F0] =	vst v0  }
0x46: {  	[tilespmem:$0x9200] =	vst v0  }
0x47: {  	[tilespmem:$0x9210] =	vst v0  }
0x48: {  	[tilespmem:$0x9220] =	vst v0  }
0x49: {  	[tilespmem:$0x9230] =	vst v0  }
0x4a: {  	[tilespmem:$0x9240] =	vst v0  }
0x4b: {  	[tilespmem:$0x9250] =	vst v0  }
0x4c: {  	[tilespmem:$0x9260] =	vst v0  }
0x4d: {  	[tilespmem:$0x9270] =	vst v0  }
0x4e: {  	[tilespmem:$0x9280] =	vst v1  }
0x4f: {  	[tilespmem:$0x9290] =	vst v1  }
0x50: {  	[tilespmem:$0x92A0] =	vst v1  }
0x51: {  	[tilespmem:$0x92B0] =	vst v1  }
0x52: {  	[tilespmem:$0x92C0] =	vst v1  }
0x53: {  	[tilespmem:$0x92D0] =	vst v1  }
0x54: {  	[tilespmem:$0x92E0] =	vst v1  }
0x55: {  	[tilespmem:$0x92F0] =	vst v1  }
0x56: {  	[spmem:s6] =	stream.linear.scatter [tilespmem:s17], [sflag:$0x2], $0x4000, $0x38;
	[tilespmem:$0x1D580] =	vst v63  }
0x57: {  	_ =	swait.ge [sflag:s18], $0x4000  }
0x58: {  	[sflag:s18] =	ssyncset.done $0x0  }
0x59: {  	[sflag:s18] =	ssyncadd.s32 $0xFFFFC000  }
0x5a: {  	[spmem:s7] =	stream.linear.scatter [tilespmem:s17], [sflag:$0x2], $0x4000, $0x38;
	[tilespmem:$0x1D580] =	vst v63  }
0x5b: {  	_ =	swait.ge [sflag:s18], $0x4000  }
0x5c: {  	[sflag:s18] =	ssyncset.done $0x0  }
0x5d: {  	[sflag:s18] =	ssyncadd.s32 $0xFFFFC000  }
0x5e: {  	[spmem:s8] =	stream.linear.scatter [tilespmem:s17], [sflag:$0x2], $0x4000, $0x38;
	[tilespmem:$0x1D580] =	vst v63  }
0x5f: {  	_ =	swait.ge [sflag:s18], $0x4000  }
0x60: {  	[sflag:s18] =	ssyncset.done $0x0  }
0x61: {  	[sflag:s18] =	ssyncadd.s32 $0xFFFFC000  }
0x62: {  	[spmem:s9] =	stream.linear.scatter [tilespmem:s17], [sflag:$0x2], $0x4000, $0x38;
	[tilespmem:$0x1D580] =	vst v63  }
0x63: {  	_ =	swait.ge [sflag:s18], $0x4000  }
0x64: {  	[sflag:s18] =	ssyncset.done $0x0  }
0x65: {  	[sflag:s18] =	ssyncadd.s32 $0xFFFFC000  }
0x66: {  	[spmem:s10] =	stream.linear.scatter [tilespmem:s17], [sflag:$0x2], $0x4000, $0x38;
	[tilespmem:$0x1D580] =	vst v63  }
0x67: {  	_ =	swait.ge [sflag:s18], $0x4000  }
0x68: {  	[sflag:s18] =	ssyncset.done $0x0  }
0x69: {  	[sflag:s18] =	ssyncadd.s32 $0xFFFFC000  }
0x6a: {  	[spmem:s11] =	stream.linear.scatter [tilespmem:s19], [sflag:$0x2], $0x280, $0x38;
	[tilespmem:$0x1D580] =	vst v63  }
0x6b: {  	_ =	swait.ge [sflag:s18], $0x280  }
0x6c: {  	[sflag:s18] =	ssyncset.done $0x0  }
0x6d: {  	[sflag:s18] =	ssyncadd.s32 $0xFFFFFD80  }
0x6e: {  	s29 =	simm.s32 $0x0;
	[bflag:$0x0] =	sbarrier.arrive $0xFFFF  }
0x6f: {  	[tilespmem:s29], [sflag:$0x2] =	stream.linear.gather [hbm4b:s12+s29], $0x2800, $0x38;
	[tilespmem:$0x1D580] =	vst v63  }
0x70: {  	_ =	swait.ge [sflag:s18], $0x2800  }
0x71: {  	[sflag:s18] =	ssyncset.done $0x0  }
0x72: {  	[sflag:s18] =	ssyncadd.s32 $0xFFFFD800  }
0x73: {  	[tilespmem:s20], [sflag:$0x2] =	stream.linear.gather [hbm4b:s13+s29], $0x2800, $0x38;
	[tilespmem:$0x1D580] =	vst v63  }
0x74: {  	_ =	swait.ge [sflag:s18], $0x2800  }
0x75: {  	[sflag:s18] =	ssyncset.done $0x0  }
0x76: {  	s30 =	simm.s32 $0x0;
	[sflag:s18] =	ssyncadd.s32 $0xFFFFD800  }
0x77: {  	[tilespmem:s17], [sflag:$0x1] =	stream.indirect.gather [hbm4b:s1+s21], $0x80, s30, s21, $0xb8;
	[tilespmem:$0x1D580] =	vst v63  }
0x78: {  	_ =	swait.ge [sflag:s22], $0x4000  }
0x79: {  	[sflag:s22] =	ssyncset.done $0x0  }
0x7a: {  	s31 =	simm.s32 $0x2800;
	[sflag:s22] =	ssyncadd.s32 $0xFFFFC000  }
0x7b: {  	[spmem:s2] =	stream.indirect.scatter.add.f32 [tilespmem:s17], [sflag:$0x2], $0x80, s31, s21, $0xb8;
	[tilespmem:$0x1D580] =	vst v63  }
0x7c: {  	_ =	swait.ge [sflag:s18], $0x4000  }
0x7d: {  	[sflag:s18] =	ssyncset.done $0x0  }
0x7e: {  	[sflag:s18] =	ssyncadd.s32 $0xFFFFC000  }
0x7f: {  	[spmem:s3] =	stream.indirect.scatter.add.f32 [tilespmem:s23], [sflag:$0x2], $0x1, s31, s21, $0xb8;
	[tilespmem:$0x1D580] =	vst v63  }
0x80: {  	_ =	swait.ge [sflag:s18], $0x80  }
0x81: {  	s26 =	simm.s32 $0x200;
	s28 =	simm.s32 $0x400;
	[sflag:s18] =	ssyncset.done $0x0  }
.LBB2_4:
0x82: {  	s29 =	sshra.s32 s26, $0x2  }
0x83: {  	[sflag:s18] =	ssyncadd.s32 $0xFFFFFF80;
	s26 =	smov.u32 s28;
	s30 =	sadd.s32 $0x200, s28  }
0x84: {  	[tilespmem:s17], [sflag:$0x1] =	stream.indirect.gather [hbm4b:s1+s21], $0x80, s29, s21, $0xb8;
	[tilespmem:$0x1D580] =	vst v63  }
0x85: {  	p0 =	sne.s32 s28, $0x9E00;
	_ =	swait.ge [sflag:s22], $0x4000  }
0x86: {  	[sflag:s22] =	ssyncset.done $0x0  }
0x87: {  	s28 =	sadd.s32 $0x2800, s29;
	[sflag:s22] =	ssyncadd.s32 $0xFFFFC000  }
0x88: {  	[spmem:s2] =	stream.indirect.scatter.add.f32 [tilespmem:s17], [sflag:$0x2], $0x80, s28, s21, $0xb8;
	[tilespmem:$0x1D580] =	vst v63  }
0x89: {  	_ =	swait.ge [sflag:s18], $0x4000  }
.Ltmp1:
0x8a: {  	[sflag:s18] =	ssyncset.done $0x0;
	(pc) =	sbr.rel @p0 .LBB2_4-.Ltmp1, $4  }
0x8b: {  	[sflag:s18] =	ssyncadd.s32 $0xFFFFC000  }
0x8c: {  	[spmem:s3] =	stream.indirect.scatter.add.f32 [tilespmem:s23], [sflag:$0x2], $0x1, s28, s21, $0xb8;
	[tilespmem:$0x1D580] =	vst v63  }
0x8d: {  	_ =	swait.ge [sflag:s18], $0x80  }
0x8e: {  	s28 =	smov.u32 s30;
	[sflag:s18] =	ssyncset.done $0x0  }
0x8f: {  	s26 =	sshra.s32 s26, $0x2;
	[sflag:s18] =	ssyncadd.s32 $0xFFFFFF80  }
0x90: {  	[tilespmem:s17], [sflag:$0x1] =	stream.indirect.gather [hbm4b:s1+s21], $0x80, s26, s21, $0xb8;
	[tilespmem:$0x1D580] =	vst v63  }
0x91: {  	_ =	swait.ge [sflag:s22], $0x4000  }
0x92: {  	[sflag:s22] =	ssyncset.done $0x0  }
0x93: {  	s26 =	sadd.s32 $0x2800, s26;
	[sflag:s22] =	ssyncadd.s32 $0xFFFFC000  }
0x94: {  	[spmem:s2] =	stream.indirect.scatter.add.f32 [tilespmem:s17], [sflag:$0x2], $0x80, s26, s21, $0xb8;
	[tilespmem:$0x1D580] =	vst v63  }
0x95: {  	_ =	swait.ge [sflag:s18], $0x4000  }
0x96: {  	[sflag:s18] =	ssyncset.done $0x0  }
0x97: {  	[sflag:s18] =	ssyncadd.s32 $0xFFFFC000  }
0x98: {  	[spmem:s3] =	stream.indirect.scatter.add.f32 [tilespmem:s23], [sflag:$0x2], $0x1, s26, s21, $0xb8;
	[tilespmem:$0x1D580] =	vst v63  }
0x99: {  	_ =	swait.ge [sflag:s18], $0x80  }
0x9a: {  	[sflag:s18] =	ssyncset.done $0x0  }
0x9b: {  	s30 =	sshll.u32 s4, $0x6;
	[sflag:s18] =	ssyncadd.s32 $0xFFFFFF80  }
0x9c: {  	s28 =	sshrl.u32 s6, $0x3;
	s26 =	sor.u32 $0x1C02, s30;
	[bflag:$0x0] =	sbarrier.arrive $0xFFFF  }
0x9d: {  	[hbm:s14], [sflag:s26] =	dma.local [spmem:s28], $0x2800  }
0x9e: {  	s5 =	sadd.s32 $0x1, s5;
	_ =	swait.ge [sflag:s18], $0x2800  }
0x9f: {  	p0 =	sne.s32 s5, s16;
	[sflag:s18] =	ssyncset.done $0x0  }
.Ltmp2:
0xa0: {  	s31 =	sshrl.u32 s11, $0x3;
	[sflag:s18] =	ssyncadd.s32 $0xFFFFD800;
	(pc) =	sbr.rel @p0 .LBB2_1-.Ltmp2, $4  }
0xa1: {  	[hbm:s15@s24], [sflag:s26] =	dma.strided [spmem:s31@s25], $0x50, s22, $0x10   }
0xa2: {  	_ =	swait.ge [sflag:s18], $0x50  }
0xa3: {  	[sflag:s18] =	ssyncset.done $0x0  }
0xa4: {  	[sflag:s18] =	ssyncadd.s32 $0xFFFFFFB0  }
0xa5: {  	_ =	sfence.sel $0x180000  }
0xa6: {  	[bflag:$0x0] =	sbarrier.arrive $0xFFFF  }
0xa7: {  	p0 =	sne.s32 s4, $0x0;
	_ =	strace $0x9000004A  }
0xa8: {  	s0 =	sadd.s32 @!p0 $0x100000, s0;
	[bflag:$0x2] =	sbarrier.arrive $0xFFFF  }
0xa9: {  	[sflag:s0] =	ssyncadd.tile.s32 @!p0 $0x1;
	_ =	shalt  }
.Lfunc_end2:
_tile_overlayer_lowered:
.L_overlay_start_2:
0xaa: {  	(tag) =	ssettag $0x2  }
0xab: {  	s0 =	rddreg [dreg:$0x0];
	s2 =	stileid.u32  }
0xac: {  	s1 =	rddreg [dreg:$0x1];
	p0 =	sne.s32 s2, $0x0  }
0xad: {  	s3 =	rddreg [dreg:$0x2];
	[bflag:$0x3] =	sbarrier.arrive $0xFFFF;
	s2 =	simm.s32 @!p0 $0x1C02  }
0xae: {  	[timem:s3], [sflag:s2] =	dma.local @!p0 [hbm:s0], s1  }
0xaf: {  	s0 =	simm.s32 @!p0 $0x2  }
0xb0: {  	_ =	swait.ge @!p0 [sflag:s0], s1  }
0xb1: {  	s1 =	ssub.s32 @!p0 $0x0, s1;
	[sflag:s0] =	ssyncset.done @!p0 $0x0  }
0xb2: {  	[sflag:s0] =	ssyncadd.s32 @!p0 s1  }
0xb3: {  	[bflag:$0x3] =	sbarrier.arrive $0xFFFF  }
0xb4: {  	_ =	shalt  }

// kernel: kernel.7.cloned.1.call-start
scs
__scs_entry_jumppad:
0x0: {  	(pc) =	sbr.rel $0x88, $3  }
0x1: {  	(tag) =	ssettag $0x0;
	lr =	simm.s32 $0x1  }
0x2: {  	[smem:$0x3F99] =	sst lr;
	_ =	strace $0xD0000000  }
0x3: {  	_ = 	snop  }
0x4: {  	_ = 	snop  }
0x5: {  	_ = 	snop  }
0x6: {  	_ = 	snop  }
0x7: {  	_ = 	snop  }
__scs_overlays_trampoline_lowered:
0x8: {  	[smem:$0x3FA8] =	sst s0  }
0x9: {  	[smem:$0x3FA9] =	sst s1  }
0xa: {  	[smem:$0x3FAA] =	sst s2  }
0xb: {  	[smem:$0x3FAB] =	sst s3  }
0xc: {  	[smem:$0x3FAC] =	sst s4  }
0xd: {  	[smem:$0x3FAD] =	sst s5  }
0xe: {  	[smem:$0x3FAE] =	sst s6  }
0xf: {  	[smem:$0x3FAF] =	sst s7  }
0x10: {  	[smem:$0x3FB0] =	sst s8  }
0x11: {  	[smem:$0x3FB1] =	sst s9;
	s0 =	simm.s32 @!p0 $0x0  }
0x12: {  	s1 =	sld [smem:$0x3F97];
	s0 =	simm.s32 @p0 $0x1  }
0x13: {  	[smem:$0x3FB2] =	sst s0;
	s0 =	simm.s32 @!p1 $0x0  }
0x14: {  	s2 =	sld [smem:$0x3F96];
	s0 =	simm.s32 @p1 $0x1  }
0x15: {  	[smem:$0x3FB3] =	sst s0;
	s0 =	simm.s32 @!p2 $0x0  }
0x16: {  	s3 =	sld [smem:$0x3FDB];
	s0 =	simm.s32 @p2 $0x1  }
0x17: {  	s4 =	simm.s32 $0x1BF5;
	[smem:$0x3FB5] =	sst s0  }
0x18: {  	s0 =	sld [smem:$0x3F98];
	_ =	swait.ge [sflag:s4], $0x0  }
0x19: {  	s7 =	sld [smem:$0x3F99]  }
0x1a: {  	s8 =	sadd.s32 $0xFFFFE003, lr  }
0x1b: {  	s9 =	sadd.s32 $0xFFFFFEF7, lr;
	s5 =	simm.s32 $0xFFFFFFFF;
	p2 =	slt.u32 s8, $0xFFFFF086  }
0x1c: {  	p1 =	slt.u32 s9, $0xF7A;
	s5 =	simm.s32 @!p2 $0x0  }
0x1d: {  	s5 =	simm.s32 @p1 $0x1;
	p0 =	seq.s32 s7, s2  }
0x1e: {  	s7 =	smul.u32 @!p0 $0xF7A, s2;
	p2 =	seq.s32 @!p0 s5, $0x0  }
0x1f: {  	s9 =	smul.u32 $0xF7A, s1;
	s8 =	simm.s32 @!p0 $0x1BF5;
	p2 =	por !p2, p0  }
0x20: {  	[sflag:s8] =	ssyncset.s32 @!p0 $0xFFFFF086;
	s6 =	sadd.s32 @!p0 s3, s7;
	s7 =	simm.s32 @!p0 $0x108  }
0x21: {  	s3 =	sadd.s32 s3, s9;
	s6 =	sadd.s32 @!p0 $0x88, s6;
	s7 =	simm.s32 @p2 $0x1082  }
0x22: {  	[simem:s7], [sflag:s8] =	dma.local @!p0 [hbm:s6], $0xF7A  }
0x23: {  	s9 =	sor.u32 $0xD0000000, s2;
	s6 =	simm.s32 $0x108;
	_ =	swait.ge @!p0 [sflag:s8], $0x0  }
0x24: {  	s3 =	sadd.s32 $0x88, s3;
	s6 =	simm.s32 @!p1 $0x1082;
	[sflag:s4] =	ssyncset.s32 $0xFFFFF086  }
0x25: {  	[simem:s6], [sflag:s4] =	dma.local [hbm:s3], $0xF7A  }
0x26: {  	[smem:$0x3F99] =	sst s1;
	(tag) =	ssettag s2;
	_ =	strace s9  }
0x27: {  	s1 =	sld [smem:$0x3FA9]  }
0x28: {  	s2 =	sld [smem:$0x3FAA]  }
0x29: {  	s4 =	sld [smem:$0x3FAC]  }
0x2a: {  	p0 =	seq.s32 s5, $0x0;
	s5 =	sld [smem:$0x3FAD]  }
0x2b: {  	s6 =	sld [smem:$0x3FAE]  }
0x2c: {  	s7 =	sld [smem:$0x3FAF]  }
0x2d: {  	s3 =	simm.s32 $0x108;
	s8 =	sld [smem:$0x3FB0]  }
0x2e: {  	s3 =	simm.s32 @!p0 $0x1082;
	s9 =	sld [smem:$0x3FB1]  }
0x2f: {  	lr =	sadd.s32 s0, s3;
	s0 =	sld [smem:$0x3FA8]  }
0x30: {  	s3 =	sld [smem:$0x3FAB]  }
0x31: {  	[smem:$0x3FB4] =	sst s10  }
0x32: {  	s10 =	sld [smem:$0x3FB2];
	_ =	sdelay $0x3  }
0x33: {  	p0 =	seq.s32 s10, $0x1;
	s10 =	sld [smem:$0x3FB4];
	_ =	sdelay $0x3  }
0x34: {  	[smem:$0x3FB4] =	sst s10  }
0x35: {  	s10 =	sld [smem:$0x3FB3];
	_ =	sdelay $0x3  }
0x36: {  	p1 =	seq.s32 s10, $0x1;
	s10 =	sld [smem:$0x3FB4];
	_ =	sdelay $0x3  }
0x37: {  	[smem:$0x3FB4] =	sst s10  }
0x38: {  	s10 =	sld [smem:$0x3FB5]  }
0x39: {  	_ = 	snop;
	(pc) =	sbr.ind lr, $3  }
0x3a: {  	_ = 	snop  }
0x3b: {  	_ = 	snop  }
0x3c: {  	p2 =	seq.s32 s10, $0x1;
	s10 =	sld [smem:$0x3FB4]  }
0x3d: {  	_ =	shalt  }
0x3e: {  	_ =	shalt  }
0x3f: {  	_ =	shalt  }
0x40: {  	_ =	shalt  }
0x41: {  	_ =	shalt  }
0x42: {  	_ =	shalt  }
0x43: {  	_ =	shalt  }
0x44: {  	_ =	shalt  }
0x45: {  	_ =	shalt  }
0x46: {  	_ =	shalt  }
0x47: {  	_ =	shalt  }
0x48: {  	_ =	shalt  }
0x49: {  	_ =	shalt  }
0x4a: {  	_ =	shalt  }
0x4b: {  	_ =	shalt  }
0x4c: {  	_ =	shalt  }
0x4d: {  	_ =	shalt  }
0x4e: {  	_ =	shalt  }
0x4f: {  	_ =	shalt  }
0x50: {  	_ =	shalt  }
0x51: {  	_ =	shalt  }
0x52: {  	_ =	shalt  }
0x53: {  	_ =	shalt  }
0x54: {  	_ =	shalt  }
0x55: {  	_ =	shalt  }
0x56: {  	_ =	shalt  }
0x57: {  	_ =	shalt  }
0x58: {  	_ =	shalt  }
0x59: {  	_ =	shalt  }
0x5a: {  	_ =	shalt  }
0x5b: {  	_ =	shalt  }
0x5c: {  	_ =	shalt  }
0x5d: {  	_ =	shalt  }
0x5e: {  	_ =	shalt  }
0x5f: {  	_ =	shalt  }
0x60: {  	_ =	shalt  }
0x61: {  	_ =	shalt  }
0x62: {  	_ =	shalt  }
0x63: {  	_ =	shalt  }
0x64: {  	_ =	shalt  }
0x65: {  	_ =	shalt  }
0x66: {  	_ =	shalt  }
0x67: {  	_ =	shalt  }
0x68: {  	_ =	shalt  }
0x69: {  	_ =	shalt  }
0x6a: {  	_ =	shalt  }
0x6b: {  	_ =	shalt  }
0x6c: {  	_ =	shalt  }
0x6d: {  	_ =	shalt  }
0x6e: {  	_ =	shalt  }
0x6f: {  	_ =	shalt  }
0x70: {  	_ =	shalt  }
0x71: {  	_ =	shalt  }
0x72: {  	_ =	shalt  }
0x73: {  	_ =	shalt  }
0x74: {  	_ =	shalt  }
0x75: {  	_ =	shalt  }
0x76: {  	_ =	shalt  }
0x77: {  	_ =	shalt  }
0x78: {  	_ =	shalt  }
0x79: {  	_ =	shalt  }
0x7a: {  	_ =	shalt  }
0x7b: {  	_ =	shalt  }
0x7c: {  	_ =	shalt  }
0x7d: {  	_ =	shalt  }
0x7e: {  	_ =	shalt  }
0x7f: {  	_ =	shalt  }
0x80: {  	_ =	shalt  }
0x81: {  	_ =	shalt  }
0x82: {  	_ =	shalt  }
0x83: {  	_ =	shalt  }
0x84: {  	_ =	shalt  }
0x85: {  	_ =	shalt  }
0x86: {  	_ =	shalt  }
0x87: {  	_ =	shalt  }
.Lfunc_end0:
.L_simem_size_0:
called_computation_lowered:
.L_overlay_start_0:
0x88: {  	s2 =	sld [smem:$0x3FD9]  }
0x89: {  	s3 =	sld [smem:$0x3FFE];
	_ =	sdelay $0x1  }
0x8a: {  	s1 =	srdreg.scid  }
0x8b: {  	s0 =	sand.u32 $0x1, s1  }
0x8c: {  	s17 =	sshll.u32 s0, $0xA;
	s2 =	sadd.s32 s3, s2  }
0x8d: {  	s2 =	sadd.s32 s2, s17  }
0x8e: {  	[smem:$0x3FC0] =	sst s2  }
0x8f: {  	_ = 	snop  }
0x90: {  	s2 =	sld [smem:$0x3FD0];
	(tm) =	ssettm $0x1  }
0x91: {  	s18 =	sld [smem:$0x3FFB];
	_ =	sdelay $0x3  }
0x92: {  	_ =	strace s18  }
0x93: {  	s3 =	sld [smem:$0x3FFC];
	_ =	sdelay $0x3  }
0x94: {  	_ =	strace s3  }
0x95: {  	s3 =	sld [smem:$0x3FFD];
	_ =	sdelay $0x3  }
0x96: {  	_ =	strace s3  }
0x97: {  	_ =	strace $0x8FFFFFFF  }
0x98: {  	s19 =	sld [smem:$0x3FDB];
	_ =	sdelay $0x1  }
0x99: {  	s4 =	simm.s32 $_scs_section_size  }
0x9a: {  	s5 =	simm.s32 $_size__tile_overlayer_lowered;
	s6 =	simm.s32 $_tile_overlayer_lowered  }
0x9b: {  	s22 =	simm.s32 $0x1BFF;
	s21 =	sshll.u32 s6, $0x1;
	s3 =	sadd.s32 s4, s19  }
0x9c: {  	s7 =	simm.s32 $0x0;
	s20 =	sshll.u32 s5, $0x1;
	s5 =	sadd.s32 s21, s3  }
0x9d: {  	[timem:s7], [sflag:s22] =	dma.local [hbm:s5], s20  }
0x9e: {  	_ =	swait.ge [sflag:s22], s20  }
0x9f: {  	s4 =	ssub.s32 $0x0, s20;
	[sflag:s22] =	ssyncset.done $0x0  }
0xa0: {  	[sflag:s22] =	ssyncadd.s32 s4;
	_ =	sdelay $0x1  }
0xa1: {  	s23 =	simm.s32 $0x1B8B  }
0xa2: {  	_ =	swait.ge [sflag:s23], $0x1  }
0xa3: {  	[sflag:s23] =	ssyncset.done $0x0  }
0xa4: {  	s25 =	simm.s32 $0x1B8E;
	s24 =	sld [smem:$0x3FFE];
	[sflag:s23] =	ssyncadd.s32 $0xFFFFFFFF  }
0xa5: {  	s26 =	simm.s32 $execute0_lowered;
	[smem:$0x3FD2] =	sst s25  }
0xa6: {  	s5 =	sshll.u32 s26, $0x1;
	_ =	strace $0x80000046;
	[dreg:$0x1] =	wrdreg $0xFFFFFFFF  }
0xa7: {  	s28 =	simm.s32 $_size_execute0_lowered;
	s3 =	sadd.s32 s3, s5;
	[dreg:$0x0] =	wrdreg $0x0  }
0xa8: {  	s5 =	sshll.u32 s28, $0x1;
	[dreg:$0x2] =	wrdreg s3  }
0xa9: {  	[dreg:$0x3] =	wrdreg s5  }
0xaa: {  	[dreg:$0x4] =	wrdreg $0xC0  }
0xab: {  	_ =	task [dreg:s7], $0x5FFFF  }
0xac: {  	[dreg:$0x1] =	wrdreg $0xFFFFFFFF  }
0xad: {  	[dreg:$0x0] =	wrdreg $0x60  }
0xae: {  	[dreg:$0x2] =	wrdreg s2  }
0xaf: {  	[dreg:$0x3] =	wrdreg s24  }
0xb0: {  	[dreg:$0x4] =	wrdreg $0x93000  }
0xb1: {  	[dreg:$0x5] =	wrdreg $0x1D3000  }
0xb2: {  	[dreg:$0x6] =	wrdreg $0x9  }
0xb3: {  	_ =	task.clear_ibuf [dreg:s7], $0x7FFFF;
	_ =	strace $0x90000046  }
0xb4: {  	s29 =	simm.s32 $0x9;
	_ =	strace $0x80000048  }
0xb5: {  	_ =	swait.ge [sflag:s29], $0x1  }
0xb6: {  	[sflag:s29] =	ssyncadd.s32 $0xFFFFFFFF  }
0xb7: {  	_ =	strace $0x90000048  }
0xb8: {  	_ =	sfence  }
0xb9: {  	s30 =	sld [smem:$0x0];
	_ =	sdelay $0x2  }
0xba: {  	s31 =	sshll.u32 s1, $0xD;
	s1 =	sshrl.u32 s1, $0x2  }
0xbb: {  	s3 =	sand.u32 $0x4000, s31;
	s1 =	sadd.s32 s1, s30  }
0xbc: {  	s0 =	sor.u32 s3, s0;
	s1 =	sshll.u32 s1, $0x11  }
0xbd: {  	s0 =	sor.u32 s1, s0  }
0xbe: {  	s0 =	sadd.s32 $0x8F2B, s0  }
0xbf: {  	[sflag:s0] =	ssyncadd.remote.s32 $0x1  }
0xc0: {  	_ =	sfence.sel $0xFFFF  }
0xc1: {  	[dreg:$0x0] =	wrdreg $0xFFFFFFFF;
	(pc) =	sbr.abs _section_cstart, $3  }
0xc2: {  	[dreg:$0x1] =	wrdreg $0xFFFFFFFF  }
0xc3: {  	_ =	task.clear_ibuf [dreg:s7], $0x2FFFF;
	_ =	strace $0x9FFFFFFF  }
0xc4: {  	(tm) =	ssettm $0x7FFFFFFF  }
0xc5: {  	_ =	shalt  }
tec
execute0_lowered:
.L_overlay_start_1:
0x0: {  	(tag) =	ssettag $0x1  }
0x1: {  	s1 =	rddreg [dreg:$0x0]  }
0x2: {  	s6 =	rddreg [dreg:$0x1]  }
0x3: {  	s2 =	rddreg [dreg:$0x2]  }
0x4: {  	s3 =	rddreg [dreg:$0x3]  }
0x5: {  	s4 =	srdreg.scid;
	s0 =	rddreg [dreg:$0x4];
	s5 =	simm.s32 $0x0  }
0x6: {  	s17 =	simm.s32 $0x5000;
	s18 =	simm.s32 $0x2;
	s19 =	simm.s32 $0x9000  }
0x7: {  	s20 =	simm.s32 $0x2800;
	s21 =	simm.s32 $0x80;
	s7 =	sand.u32 $0x1, s4  }
0x8: {  	s22 =	simm.s32 $0x1;
	s4 =	stileid.u32;
	s8 =	smul.u32 $0x140000, s7  }
0x9: {  	s23 =	simm.s32 $0x9280;
	s24 =	simm.s32 $0x20;
	s10 =	smul.u32 $0x14000, s4  }
0xa: {  	[smem:$0x7FF] =	sst s5;
	s9 =	sshll.u32 s7, $0x4;
	s11 =	smul.u32 $0x500, s4  }
0xb: {  	_ =	strace $0x80000047;
	s25 =	sshll.u32 s7, $0x7;
	s26 =	smul.u32 $0x50000, s4  }
0xc: {  	s7 =	ssub.s32 $0x2, s7;
	s31 =	smul.u32 $0xA00, s4;
	s9 =	sor.u32 s4, s9  }
0xd: {  	s30 =	sshrl.u32 s7, $0x1;
	s9 =	smul.u32 $0x500, s9;
	s8 =	sadd.s32 s10, s8  }
0xe: {  	s10 =	sor.u32 s25, s11;
	s29 =	sshrl.u32 s26, $0x2;
	s16 =	ssub.s32 s7, s30  }
0xf: {  	s11 =	sshrl.u32 s31, $0x2;
	s25 =	simm.s32 $0x10;
	s8 =	sshrl.u32 s8, $0x3  }
0x10: {  	s28 =	sshrl.u32 s10, $0x3;
	s11 =	sadd.s32 s11, s3;
	s13 =	sadd.s32 s9, s6  }
0x11: {  	s14 =	sadd.s32 s8, s6;
	s15 =	sadd.s32 s28, s6;
	s6 =	sadd.s32 s29, s2  }
0x12: {  	s16 =	smax.u32 s16, $0x1;
	s7 =	sadd.s32 $0x4000, s6;
	s8 =	sadd.s32 $0x8000, s6  }
0x13: {  	s9 =	sadd.s32 $0xC000, s6;
	s10 =	sadd.s32 $0x10000, s6;
	s12 =	sadd.s32 $0xCE00, s13  }
0x14: {  	v0 =	vimm.f32 $0.0e+00;
	v1 =	vimm.f32 $1.000000000e+00;
	s13 =	sadd.s32 $0x2E00, s13;
	s14 =	sadd.s32 $0x3E000, s14;
	s15 =	sadd.s32 $0x8E000, s15  }
.LBB2_1:
0x15: {  	s26 =	simm.s32 $0x0;
	s28 =	simm.s32 $0x200  }
.LBB2_2:
0x16: {  	p0 =	sne.s32 s28, $0xFE00;
	[tilespmem:s26+$0x5070] =	vst v0  }
0x17: {  	[tilespmem:s26+$0x5000] =	vst v0  }
0x18: {  	[tilespmem:s26+$0x5010] =	vst v0  }
.Ltmp0:
0x19: {  	[tilespmem:s26+$0x5020] =	vst v0;
	(pc) =	sbr.rel @p0 .LBB2_2-.Ltmp0, $4  }
0x1a: {  	[tilespmem:s26+$0x5030] =	vst v0  }
0x1b: {  	[tilespmem:s26+$0x5040] =	vst v0  }
0x1c: {  	[tilespmem:s26+$0x5050] =	vst v0  }
0x1d: {  	[tilespmem:s26+$0x5060] =	vst v0;
	s26 =	sshra.s32 s28, $0x2;
	s28 =	sadd.s32 $0x200, s28  }
0x1e: {  	[tilespmem:s26+$0x5070] =	vst v0  }
0x1f: {  	[tilespmem:s26+$0x5000] =	vst v0  }
0x20: {  	[tilespmem:s26+$0x5010] =	vst v0  }
0x21: {  	[tilespmem:s26+$0x5020] =	vst v0  }
0x22: {  	[tilespmem:s26+$0x5030] =	vst v0  }
0x23: {  	[tilespmem:s26+$0x5040] =	vst v0  }
0x24: {  	[tilespmem:s26+$0x5050] =	vst v0  }
0x25: {  	[tilespmem:s26+$0x5060] =	vst v0  }
0x26: {  	[tilespmem:$0x9000] =	vst v0  }
0x27: {  	[tilespmem:$0x9010] =	vst v0  }
0x28: {  	[tilespmem:$0x9020] =	vst v0  }
0x29: {  	[tilespmem:$0x9030] =	vst v0  }
0x2a: {  	[tilespmem:$0x9040] =	vst v0  }
0x2b: {  	[tilespmem:$0x9050] =	vst v0  }
0x2c: {  	[tilespmem:$0x9060] =	vst v0  }
0x2d: {  	[tilespmem:$0x9070] =	vst v0  }
0x2e: {  	[tilespmem:$0x9080] =	vst v0  }
0x2f: {  	[tilespmem:$0x9090] =	vst v0  }
0x30: {  	[tilespmem:$0x90A0] =	vst v0  }
0x31: {  	[tilespmem:$0x90B0] =	vst v0  }
0x32: {  	[tilespmem:$0x90C0] =	vst v0  }
0x33: {  	[tilespmem:$0x90D0] =	vst v0  }
0x34: {  	[tilespmem:$0x90E0] =	vst v0  }
0x35: {  	[tilespmem:$0x90F0] =	vst v0  }
0x36: {  	[tilespmem:$0x9100] =	vst v0  }
0x37: {  	[tilespmem:$0x9110] =	vst v0  }
0x38: {  	[tilespmem:$0x9120] =	vst v0  }
0x39: {  	[tilespmem:$0x9130] =	vst v0  }
0x3a: {  	[tilespmem:$0x9140] =	vst v0  }
0x3b: {  	[tilespmem:$0x9150] =	vst v0  }
0x3c: {  	[tilespmem:$0x9160] =	vst v0  }
0x3d: {  	[tilespmem:$0x9170] =	vst v0  }
0x3e: {  	[tilespmem:$0x9180] =	vst v0  }
0x3f: {  	[tilespmem:$0x9190] =	vst v0  }
0x40: {  	[tilespmem:$0x91A0] =	vst v0  }
0x41: {  	[tilespmem:$0x91B0] =	vst v0  }
0x42: {  	[tilespmem:$0x91C0] =	vst v0  }
0x43: {  	[tilespmem:$0x91D0] =	vst v0  }
0x44: {  	[tilespmem:$0x91E0] =	vst v0  }
0x45: {  	[tilespmem:$0x91F0] =	vst v0  }
0x46: {  	[tilespmem:$0x9200] =	vst v0  }
0x47: {  	[tilespmem:$0x9210] =	vst v0  }
0x48: {  	[tilespmem:$0x9220] =	vst v0  }
0x49: {  	[tilespmem:$0x9230] =	vst v0  }
0x4a: {  	[tilespmem:$0x9240] =	vst v0  }
0x4b: {  	[tilespmem:$0x9250] =	vst v0  }
0x4c: {  	[tilespmem:$0x9260] =	vst v0  }
0x4d: {  	[tilespmem:$0x9270] =	vst v0  }
0x4e: {  	[tilespmem:$0x9280] =	vst v1  }
0x4f: {  	[tilespmem:$0x9290] =	vst v1  }
0x50: {  	[tilespmem:$0x92A0] =	vst v1  }
0x51: {  	[tilespmem:$0x92B0] =	vst v1  }
0x52: {  	[tilespmem:$0x92C0] =	vst v1  }
0x53: {  	[tilespmem:$0x92D0] =	vst v1  }
0x54: {  	[tilespmem:$0x92E0] =	vst v1  }
0x55: {  	[tilespmem:$0x92F0] =	vst v1  }
0x56: {  	[spmem:s6] =	stream.linear.scatter [tilespmem:s17], [sflag:$0x2], $0x4000, $0x38;
	[tilespmem:$0x1D580] =	vst v63  }
0x57: {  	_ =	swait.ge [sflag:s18], $0x4000  }
0x58: {  	[sflag:s18] =	ssyncset.done $0x0  }
0x59: {  	[sflag:s18] =	ssyncadd.s32 $0xFFFFC000  }
0x5a: {  	[spmem:s7] =	stream.linear.scatter [tilespmem:s17], [sflag:$0x2], $0x4000, $0x38;
	[tilespmem:$0x1D580] =	vst v63  }
0x5b: {  	_ =	swait.ge [sflag:s18], $0x4000  }
0x5c: {  	[sflag:s18] =	ssyncset.done $0x0  }
0x5d: {  	[sflag:s18] =	ssyncadd.s32 $0xFFFFC000  }
0x5e: {  	[spmem:s8] =	stream.linear.scatter [tilespmem:s17], [sflag:$0x2], $0x4000, $0x38;
	[tilespmem:$0x1D580] =	vst v63  }
0x5f: {  	_ =	swait.ge [sflag:s18], $0x4000  }
0x60: {  	[sflag:s18] =	ssyncset.done $0x0  }
0x61: {  	[sflag:s18] =	ssyncadd.s32 $0xFFFFC000  }
0x62: {  	[spmem:s9] =	stream.linear.scatter [tilespmem:s17], [sflag:$0x2], $0x4000, $0x38;
	[tilespmem:$0x1D580] =	vst v63  }
0x63: {  	_ =	swait.ge [sflag:s18], $0x4000  }
0x64: {  	[sflag:s18] =	ssyncset.done $0x0  }
0x65: {  	[sflag:s18] =	ssyncadd.s32 $0xFFFFC000  }
0x66: {  	[spmem:s10] =	stream.linear.scatter [tilespmem:s17], [sflag:$0x2], $0x4000, $0x38;
	[tilespmem:$0x1D580] =	vst v63  }
0x67: {  	_ =	swait.ge [sflag:s18], $0x4000  }
0x68: {  	[sflag:s18] =	ssyncset.done $0x0  }
0x69: {  	[sflag:s18] =	ssyncadd.s32 $0xFFFFC000  }
0x6a: {  	[spmem:s11] =	stream.linear.scatter [tilespmem:s19], [sflag:$0x2], $0x280, $0x38;
	[tilespmem:$0x1D580] =	vst v63  }
0x6b: {  	_ =	swait.ge [sflag:s18], $0x280  }
0x6c: {  	[sflag:s18] =	ssyncset.done $0x0  }
0x6d: {  	[sflag:s18] =	ssyncadd.s32 $0xFFFFFD80  }
0x6e: {  	s29 =	simm.s32 $0x0;
	[bflag:$0x0] =	sbarrier.arrive $0xFFFF  }
0x6f: {  	[tilespmem:s29], [sflag:$0x2] =	stream.linear.gather [hbm4b:s12+s29], $0x2800, $0x38;
	[tilespmem:$0x1D580] =	vst v63  }
0x70: {  	_ =	swait.ge [sflag:s18], $0x2800  }
0x71: {  	[sflag:s18] =	ssyncset.done $0x0  }
0x72: {  	[sflag:s18] =	ssyncadd.s32 $0xFFFFD800  }
0x73: {  	[tilespmem:s20], [sflag:$0x2] =	stream.linear.gather [hbm4b:s13+s29], $0x2800, $0x38;
	[tilespmem:$0x1D580] =	vst v63  }
0x74: {  	_ =	swait.ge [sflag:s18], $0x2800  }
0x75: {  	[sflag:s18] =	ssyncset.done $0x0  }
0x76: {  	s30 =	simm.s32 $0x0;
	[sflag:s18] =	ssyncadd.s32 $0xFFFFD800  }
0x77: {  	[tilespmem:s17], [sflag:$0x1] =	stream.indirect.gather [hbm4b:s1+s21], $0x80, s30, s21, $0xb8;
	[tilespmem:$0x1D580] =	vst v63  }
0x78: {  	_ =	swait.ge [sflag:s22], $0x4000  }
0x79: {  	[sflag:s22] =	ssyncset.done $0x0  }
0x7a: {  	s31 =	simm.s32 $0x2800;
	[sflag:s22] =	ssyncadd.s32 $0xFFFFC000  }
0x7b: {  	[spmem:s2] =	stream.indirect.scatter.add.f32 [tilespmem:s17], [sflag:$0x2], $0x80, s31, s21, $0xb8;
	[tilespmem:$0x1D580] =	vst v63  }
0x7c: {  	_ =	swait.ge [sflag:s18], $0x4000  }
0x7d: {  	[sflag:s18] =	ssyncset.done $0x0  }
0x7e: {  	[sflag:s18] =	ssyncadd.s32 $0xFFFFC000  }
0x7f: {  	[spmem:s3] =	stream.indirect.scatter.add.f32 [tilespmem:s23], [sflag:$0x2], $0x1, s31, s21, $0xb8;
	[tilespmem:$0x1D580] =	vst v63  }
0x80: {  	_ =	swait.ge [sflag:s18], $0x80  }
0x81: {  	s26 =	simm.s32 $0x200;
	s28 =	simm.s32 $0x400;
	[sflag:s18] =	ssyncset.done $0x0  }
.LBB2_4:
0x82: {  	s29 =	sshra.s32 s26, $0x2  }
0x83: {  	[sflag:s18] =	ssyncadd.s32 $0xFFFFFF80;
	s26 =	smov.u32 s28;
	s30 =	sadd.s32 $0x200, s28  }
0x84: {  	[tilespmem:s17], [sflag:$0x1] =	stream.indirect.gather [hbm4b:s1+s21], $0x80, s29, s21, $0xb8;
	[tilespmem:$0x1D580] =	vst v63  }
0x85: {  	p0 =	sne.s32 s28, $0x9E00;
	_ =	swait.ge [sflag:s22], $0x4000  }
0x86: {  	[sflag:s22] =	ssyncset.done $0x0  }
0x87: {  	s28 =	sadd.s32 $0x2800, s29;
	[sflag:s22] =	ssyncadd.s32 $0xFFFFC000  }
0x88: {  	[spmem:s2] =	stream.indirect.scatter.add.f32 [tilespmem:s17], [sflag:$0x2], $0x80, s28, s21, $0xb8;
	[tilespmem:$0x1D580] =	vst v63  }
0x89: {  	_ =	swait.ge [sflag:s18], $0x4000  }
.Ltmp1:
0x8a: {  	[sflag:s18] =	ssyncset.done $0x0;
	(pc) =	sbr.rel @p0 .LBB2_4-.Ltmp1, $4  }
0x8b: {  	[sflag:s18] =	ssyncadd.s32 $0xFFFFC000  }
0x8c: {  	[spmem:s3] =	stream.indirect.scatter.add.f32 [tilespmem:s23], [sflag:$0x2], $0x1, s28, s21, $0xb8;
	[tilespmem:$0x1D580] =	vst v63  }
0x8d: {  	_ =	swait.ge [sflag:s18], $0x80  }
0x8e: {  	s28 =	smov.u32 s30;
	[sflag:s18] =	ssyncset.done $0x0  }
0x8f: {  	s26 =	sshra.s32 s26, $0x2;
	[sflag:s18] =	ssyncadd.s32 $0xFFFFFF80  }
0x90: {  	[tilespmem:s17], [sflag:$0x1] =	stream.indirect.gather [hbm4b:s1+s21], $0x80, s26, s21, $0xb8;
	[tilespmem:$0x1D580] =	vst v63  }
0x91: {  	_ =	swait.ge [sflag:s22], $0x4000  }
0x92: {  	[sflag:s22] =	ssyncset.done $0x0  }
0x93: {  	s26 =	sadd.s32 $0x2800, s26;
	[sflag:s22] =	ssyncadd.s32 $0xFFFFC000  }
0x94: {  	[spmem:s2] =	stream.indirect.scatter.add.f32 [tilespmem:s17], [sflag:$0x2], $0x80, s26, s21, $0xb8;
	[tilespmem:$0x1D580] =	vst v63  }
0x95: {  	_ =	swait.ge [sflag:s18], $0x4000  }
0x96: {  	[sflag:s18] =	ssyncset.done $0x0  }
0x97: {  	[sflag:s18] =	ssyncadd.s32 $0xFFFFC000  }
0x98: {  	[spmem:s3] =	stream.indirect.scatter.add.f32 [tilespmem:s23], [sflag:$0x2], $0x1, s26, s21, $0xb8;
	[tilespmem:$0x1D580] =	vst v63  }
0x99: {  	_ =	swait.ge [sflag:s18], $0x80  }
0x9a: {  	[sflag:s18] =	ssyncset.done $0x0  }
0x9b: {  	s30 =	sshll.u32 s4, $0x6;
	[sflag:s18] =	ssyncadd.s32 $0xFFFFFF80  }
0x9c: {  	s28 =	sshrl.u32 s6, $0x3;
	s26 =	sor.u32 $0x1C02, s30;
	[bflag:$0x0] =	sbarrier.arrive $0xFFFF  }
0x9d: {  	[hbm:s14], [sflag:s26] =	dma.local [spmem:s28], $0x2800  }
0x9e: {  	s5 =	sadd.s32 $0x1, s5;
	_ =	swait.ge [sflag:s18], $0x2800  }
0x9f: {  	p0 =	sne.s32 s5, s16;
	[sflag:s18] =	ssyncset.done $0x0  }
.Ltmp2:
0xa0: {  	s31 =	sshrl.u32 s11, $0x3;
	[sflag:s18] =	ssyncadd.s32 $0xFFFFD800;
	(pc) =	sbr.rel @p0 .LBB2_1-.Ltmp2, $4  }
0xa1: {  	[hbm:s15@s24], [sflag:s26] =	dma.strided [spmem:s31@s25], $0x50, s22, $0x10   }
0xa2: {  	_ =	swait.ge [sflag:s18], $0x50  }
0xa3: {  	[sflag:s18] =	ssyncset.done $0x0  }
0xa4: {  	[sflag:s18] =	ssyncadd.s32 $0xFFFFFFB0  }
0xa5: {  	_ =	sfence.sel $0x180000  }
0xa6: {  	[bflag:$0x0] =	sbarrier.arrive $0xFFFF  }
0xa7: {  	p0 =	sne.s32 s4, $0x0;
	_ =	strace $0x90000047  }
0xa8: {  	s0 =	sadd.s32 @!p0 $0x100000, s0;
	[bflag:$0x2] =	sbarrier.arrive $0xFFFF  }
0xa9: {  	[sflag:s0] =	ssyncadd.tile.s32 @!p0 $0x1;
	_ =	shalt  }
.Lfunc_end2:
_tile_overlayer_lowered:
.L_overlay_start_2:
0xaa: {  	(tag) =	ssettag $0x2  }
0xab: {  	s0 =	rddreg [dreg:$0x0];
	s2 =	stileid.u32  }
0xac: {  	s1 =	rddreg [dreg:$0x1];
	p0 =	sne.s32 s2, $0x0  }
0xad: {  	s3 =	rddreg [dreg:$0x2];
	[bflag:$0x3] =	sbarrier.arrive $0xFFFF;
	s2 =	simm.s32 @!p0 $0x1C02  }
0xae: {  	[timem:s3], [sflag:s2] =	dma.local @!p0 [hbm:s0], s1  }
0xaf: {  	s0 =	simm.s32 @!p0 $0x2  }
0xb0: {  	_ =	swait.ge @!p0 [sflag:s0], s1  }
0xb1: {  	s1 =	ssub.s32 @!p0 $0x0, s1;
	[sflag:s0] =	ssyncset.done @!p0 $0x0  }
0xb2: {  	[sflag:s0] =	ssyncadd.s32 @!p0 s1  }
0xb3: {  	[bflag:$0x3] =	sbarrier.arrive $0xFFFF  }
0xb4: {  	_ =	shalt  }

</sc_bundles>
